<compile_context>
chip_gen: v7x
topology: tpu7x:2x2x1
jax: 0.10.2.dev20260603
libtpu: 0.0.44.dev20260713+nightly
codegen_flags: <defaults>
</compile_context>

<pallas_src>
import functools

import jax
import jax.numpy as jnp
from jax import lax
from jax.experimental import pallas as pl
from jax.experimental.pallas import tpu as pltpu
from jax.experimental.pallas import tpu_sc as plsc

NC = 2
NS = 16
NW = NC * NS
CH = 128

ROW_BLK = 400


def _make_seg_sum(n_nodes, n_acc, nchunk, d):
    rpt = n_acc // NS
    mesh = plsc.VectorSubcoreMesh(core_axis_name="c", subcore_axis_name="s")

    @functools.partial(
        pl.kernel,
        mesh=mesh,
        compiler_params=pltpu.CompilerParams(use_tc_tiling_on_sc=False),
        out_type=jax.ShapeDtypeStruct((NC, n_acc, d), jnp.float32),
        scratch_types=[
            pltpu.VMEM((nchunk, CH), jnp.int32),
            pltpu.VMEM((nchunk, CH), jnp.int32),
            pltpu.VMEM((CH, d), jnp.float32),
            pltpu.VMEM((rpt, d), jnp.float32),
            pltpu.VMEM_SHARED((n_acc, d), jnp.float32),
            pltpu.SemaphoreType.DMA,
        ],
    )
    def seg_sum(src_hbm, dst_hbm, p_hbm, zeros_hbm, out_hbm,
                src_v, dst_v, rows_v, obuf_v, acc_sh, sem):
        cid = lax.axis_index("c")
        sid = lax.axis_index("s")
        wid = sid * NC + cid
        r0 = sid * rpt
        pltpu.sync_copy(zeros_hbm, obuf_v)
        pltpu.sync_copy(obuf_v, acc_sh.at[pl.ds(r0, rpt)])
        pltpu.sync_copy(src_hbm.at[wid], src_v)
        pltpu.sync_copy(dst_hbm.at[wid], dst_v)
        plsc.subcore_barrier()

        def body(j, carry):
            pltpu.async_copy(p_hbm.at[src_v.at[j]], rows_v, sem).wait()
            pltpu.sync_copy(rows_v, acc_sh.at[dst_v.at[j]], add=True)
            return carry

        lax.fori_loop(0, nchunk, body, 0)
        plsc.subcore_barrier()
        pltpu.sync_copy(acc_sh.at[pl.ds(r0, rpt)], obuf_v)
        pltpu.sync_copy(obuf_v, out_hbm.at[cid, pl.ds(r0, rpt)])

    return seg_sum


def _proj1_body(x_ref, wl_ref, wr_ref, p_ref, s_ref):
    xb = x_ref[...]
    y1 = jnp.dot(xb, wl_ref[...], preferred_element_type=jnp.float32)
    ones_col = (lax.broadcasted_iota(jnp.int32, y1.shape, 1) == 20).astype(
        jnp.float32)
    p_ref[...] = y1 + ones_col
    s_ref[...] = jnp.dot(xb, wr_ref[...], preferred_element_type=jnp.float32)


def _mid_body(part_ref, s1_ref, b1_ref, w2l_ref, w2r_ref,
              p2_ref, s2_ref, di_ref):
    a = part_ref[0] + part_ref[1]
    di = 1.0 / jnp.maximum(a[:, 20:21], 1.0)
    h = jnp.maximum(a[:, :20] * di + b1_ref[...] + s1_ref[...], 0.0)
    p2_ref[...] = jnp.dot(h, w2l_ref[...], preferred_element_type=jnp.float32)
    s2_ref[...] = jnp.dot(h, w2r_ref[...], preferred_element_type=jnp.float32)
    di_ref[...] = di


def _fin_body(part_ref, s2_ref, di_ref, b2_ref, o_ref):
    a = part_ref[0] + part_ref[1]
    o_ref[...] = a[:, :3] * di_ref[...] + b2_ref[...] + s2_ref[...]


def kernel(x, edge_index, W1_l, W1_r, b1, W2_l, W2_r, b2):
    n, f_in = x.shape
    e = edge_index.shape[1]
    d1 = W1_l.shape[1]
    d2 = W2_l.shape[1]
    dp1, dp2 = 32, 16

    e_pad = -(-e // (NW * CH)) * (NW * CH)
    nchunk = e_pad // (NW * CH)
    n_acc = -(-(n + 1) // (NS * 8)) * (NS * 8)
    rpt = n_acc // NS
    grid = n // ROW_BLK

    ei = edge_index.astype(jnp.int32)
    src = jnp.concatenate([ei[0], jnp.zeros((e_pad - e,), jnp.int32)])
    dst = jnp.concatenate([ei[1], jnp.full((e_pad - e,), n, jnp.int32)])
    src = src.reshape(NW, nchunk, CH)
    dst = dst.reshape(NW, nchunk, CH)
    zeros1 = jnp.zeros((rpt, dp1), jnp.float32)
    zeros2 = jnp.zeros((rpt, dp2), jnp.float32)
    wl_pad = jnp.pad(W1_l, ((0, 0), (0, dp1 - d1)))
    w2l_pad = jnp.pad(W2_l, ((0, 0), (0, dp2 - d2)))

    p1, s1 = pl.pallas_call(
        _proj1_body,
        grid=(grid,),
        in_specs=[
            pl.BlockSpec((ROW_BLK, f_in), lambda i: (i, 0)),
            pl.BlockSpec((f_in, dp1), lambda i: (0, 0)),
            pl.BlockSpec((f_in, d1), lambda i: (0, 0)),
        ],
        out_specs=[
            pl.BlockSpec((ROW_BLK, dp1), lambda i: (i, 0)),
            pl.BlockSpec((ROW_BLK, d1), lambda i: (i, 0)),
        ],
        out_shape=[
            jax.ShapeDtypeStruct((n, dp1), jnp.float32),
            jax.ShapeDtypeStruct((n, d1), jnp.float32),
        ],
    )(x, wl_pad, W1_r)

    part1 = _make_seg_sum(n, n_acc, nchunk, dp1)(src, dst, p1, zeros1)

    p2, s2, di = pl.pallas_call(
        _mid_body,
        grid=(grid,),
        in_specs=[
            pl.BlockSpec((NC, ROW_BLK, dp1), lambda i: (0, i, 0)),
            pl.BlockSpec((ROW_BLK, d1), lambda i: (i, 0)),
            pl.BlockSpec((1, d1), lambda i: (0, 0)),
            pl.BlockSpec((d1, dp2), lambda i: (0, 0)),
            pl.BlockSpec((d1, d2), lambda i: (0, 0)),
        ],
        out_specs=[
            pl.BlockSpec((ROW_BLK, dp2), lambda i: (i, 0)),
            pl.BlockSpec((ROW_BLK, d2), lambda i: (i, 0)),
            pl.BlockSpec((ROW_BLK, 1), lambda i: (i, 0)),
        ],
        out_shape=[
            jax.ShapeDtypeStruct((n, dp2), jnp.float32),
            jax.ShapeDtypeStruct((n, d2), jnp.float32),
            jax.ShapeDtypeStruct((n, 1), jnp.float32),
        ],
    )(part1, s1, b1.reshape(1, d1), w2l_pad, W2_r)

    part2 = _make_seg_sum(n, n_acc, nchunk, dp2)(src, dst, p2, zeros2)

    out = pl.pallas_call(
        _fin_body,
        grid=(grid,),
        in_specs=[
            pl.BlockSpec((NC, ROW_BLK, dp2), lambda i: (0, i, 0)),
            pl.BlockSpec((ROW_BLK, d2), lambda i: (i, 0)),
            pl.BlockSpec((ROW_BLK, 1), lambda i: (i, 0)),
            pl.BlockSpec((1, d2), lambda i: (0, 0)),
        ],
        out_specs=pl.BlockSpec((ROW_BLK, d2), lambda i: (i, 0)),
        out_shape=jax.ShapeDtypeStruct((n, d2), jnp.float32),
    )(part2, s2, di, b2.reshape(1, d2))

    return out

# --- scband reference (transcript-rebuilt; emitter-appended) ---
"""Pipeline reference for scband-sagemodel-3332894622191 (READ-ONLY COPY).

The authoritative reference and input builder live on the scoring server;
editing this copy changes nothing except your own understanding.
"""

import jax, jax.numpy as jnp
import numpy as np

N_NODES = 10000
N_EDGES = 160000


def setup_inputs(seed: int = 0) -> dict:
    key = jax.random.key(seed)
    ks = jax.random.split(key, 8)
    x = jax.random.normal(ks[0], (N_NODES, 500), dtype=jnp.float32)
    edge_index = jax.random.randint(ks[1], (2, N_EDGES), 0, N_NODES, dtype=jnp.int64)
    W1_l = jax.random.normal(ks[2], (500, 20), dtype=jnp.float32) * 0.05
    W1_r = jax.random.normal(ks[3], (500, 20), dtype=jnp.float32) * 0.05
    b1 = jnp.zeros((20,), dtype=jnp.float32)
    W2_l = jax.random.normal(ks[4], (20, 3), dtype=jnp.float32) * 0.2
    W2_r = jax.random.normal(ks[5], (20, 3), dtype=jnp.float32) * 0.2
    b2 = jnp.zeros((3,), dtype=jnp.float32)
    return {"x": x, "edge_index": edge_index, "W1_l": W1_l, "W1_r": W1_r, "b1": b1,
            "W2_l": W2_l, "W2_r": W2_r, "b2": b2}


def _sage_conv(x, edge_index, W_l, W_r, b):
    # PyG SAGEConv default: mean aggregation of source-node features at dst,
    # out = lin_l(mean_agg) + lin_r(x); lin_l has bias, lin_r does not.
    src = edge_index[0]
    dst = edge_index[1]
    msgs = jnp.take(x, src, axis=0)                               # gather  [E, d]
    agg = jax.ops.segment_sum(msgs, dst, num_segments=x.shape[0]) # scatter-add [N, d]
    deg = jax.ops.segment_sum(jnp.ones((edge_index.shape[1],), x.dtype), dst,
                              num_segments=x.shape[0])
    agg = agg / jnp.clip(deg, 1.0, None)[:, None]
    return agg @ W_l + b + x @ W_r


def reference(x, edge_index, W1_l, W1_r, b1, W2_l, W2_r, b2):
    h = _sage_conv(x, edge_index, W1_l, W1_r, b1)
    h = jax.nn.relu(h)
    # dropout(p=0.5) is identity in eval mode
    out = _sage_conv(h, edge_index, W2_l, W2_r, b2)
    return out

if __name__ == "__main__":
    import jax
    _d = setup_inputs()
    print(jax.jit(kernel)(*tuple(_d.values())))

</pallas_src>

<mosaic_0001>
#map = affine_map<(d0, d1) -> (0, 0, 0)>
#map1 = affine_map<(d0, d1) -> (0, 0)>
module attributes {stable_mosaic.version = 14 : i64} {
  func.func @seg_sum(%arg0: i32, %arg1: i32, %arg2: memref<32x40x128xi32, #tpu.memory_space<hbm>>, %arg3: memref<32x40x128xi32, #tpu.memory_space<hbm>>, %arg4: memref<10000x32xf32, #tpu.memory_space<hbm>>, %arg5: memref<632x32xf32, #tpu.memory_space<hbm>>, %arg6: memref<2x10112x32xf32, #tpu.memory_space<hbm>>, %arg7: memref<40x128xi32, #tpu.memory_space<vmem>>, %arg8: memref<40x128xi32, #tpu.memory_space<vmem>>, %arg9: memref<128x32xf32, #tpu.memory_space<vmem>>, %arg10: memref<632x32xf32, #tpu.memory_space<vmem>>, %arg11: memref<10112x32xf32, #tpu.memory_space<vmem_shared>>, %arg12: memref<!tpu.dma_semaphore, #tpu.memory_space<semaphore_mem>>) attributes {dimension_semantics = [#tpu.dimension_semantics<core_parallel>, #tpu.dimension_semantics<subcore_parallel>], iteration_bounds = array<i64: 2, 16>, scalar_prefetch = 0 : i64, scratch_operands = 6 : i64, tpu.core_type = #tpu.core_type<sc_vector_subcore>, window_params = [{transform_indices = #map}, {transform_indices = #map}, {transform_indices = #map1}, {transform_indices = #map1}, {transform_indices = #map}]} {
    %mul3A = arith.constant 2 : i32
    %mul3A_0 = arith.muli %arg1, %mul3A : i32
    %add3A = arith.addi %mul3A_0, %arg0 : i32
    %mul3A_1 = arith.constant 632 : i32
    %mul3A_2 = arith.muli %arg1, %mul3A_1 : i32
    "tpu.region"() ({
      %run_scoped3A = tpu.sem_alloc : memref<!tpu.dma_semaphore, #tpu.memory_space<semaphore_mem>>
      tpu.enqueue_dma source(%arg5 : memref<632x32xf32, #tpu.memory_space<hbm>>) target(%arg10 : memref<632x32xf32, #tpu.memory_space<vmem>>) target_semaphore(%run_scoped3A : memref<!tpu.dma_semaphore, #tpu.memory_space<semaphore_mem>>)
      tpu.wait_dma2 semaphore(%run_scoped3A : memref<!tpu.dma_semaphore, #tpu.memory_space<semaphore_mem>>) src(%arg5 : memref<632x32xf32, #tpu.memory_space<hbm>>) dst(%arg10 : memref<632x32xf32, #tpu.memory_space<vmem>>)
      tpu.yield
    }) : () -> ()
    "tpu.region"() ({
      %run_scoped3A = tpu.sem_alloc : memref<!tpu.dma_semaphore, #tpu.memory_space<semaphore_mem>>
      %dma_start3A = arith.constant 0 : i32
      %dma_start3A_9 = tpu.memref_slice %arg11[%mul3A_2, %dma_start3A] : memref<10112x32xf32, #tpu.memory_space<vmem_shared>> -> memref<632x32xf32, #tpu.memory_space<vmem_shared>>
      %dma_start3A_10 = arith.constant 0 : i32
      %dma_start3A_11 = tpu.memref_slice %arg11[%mul3A_2, %dma_start3A_10] : memref<10112x32xf32, #tpu.memory_space<vmem_shared>> -> memref<632x32xf32, #tpu.memory_space<vmem_shared>>
      tpu.enqueue_dma source(%arg10 : memref<632x32xf32, #tpu.memory_space<vmem>>) target(%dma_start3A_11 : memref<632x32xf32, #tpu.memory_space<vmem_shared>>) target_semaphore(%run_scoped3A : memref<!tpu.dma_semaphore, #tpu.memory_space<semaphore_mem>>)
      %dma_wait3A = arith.constant 0 : i32
      %dma_wait3A_12 = tpu.memref_slice %arg11[%mul3A_2, %dma_wait3A] : memref<10112x32xf32, #tpu.memory_space<vmem_shared>> -> memref<632x32xf32, #tpu.memory_space<vmem_shared>>
      %dma_wait3A_13 = arith.constant 0 : i32
      %dma_wait3A_14 = tpu.memref_slice %arg11[%mul3A_2, %dma_wait3A_13] : memref<10112x32xf32, #tpu.memory_space<vmem_shared>> -> memref<632x32xf32, #tpu.memory_space<vmem_shared>>
      tpu.wait_dma2 semaphore(%run_scoped3A : memref<!tpu.dma_semaphore, #tpu.memory_space<semaphore_mem>>) src(%arg10 : memref<632x32xf32, #tpu.memory_space<vmem>>) dst(%dma_wait3A_14 : memref<632x32xf32, #tpu.memory_space<vmem_shared>>)
      tpu.yield
    }) : () -> ()
    "tpu.region"() ({
      %run_scoped3A = tpu.sem_alloc : memref<!tpu.dma_semaphore, #tpu.memory_space<semaphore_mem>>
      %dma_start3A = arith.constant 0 : i32
      %dma_start3A_9 = arith.constant 0 : i32
      %dma_start3A_10 = tpu.memref_slice %arg2[%add3A, %dma_start3A, %dma_start3A_9] : memref<32x40x128xi32, #tpu.memory_space<hbm>> -> memref<1x40x128xi32, #tpu.memory_space<hbm>>
      %dma_start3A_11 = tpu.memref_squeeze %dma_start3A_10 : memref<1x40x128xi32, #tpu.memory_space<hbm>> -> memref<40x128xi32, #tpu.memory_space<hbm>>
      %dma_start3A_12 = arith.constant 0 : i32
      %dma_start3A_13 = arith.constant 0 : i32
      %dma_start3A_14 = tpu.memref_slice %arg2[%add3A, %dma_start3A_12, %dma_start3A_13] : memref<32x40x128xi32, #tpu.memory_space<hbm>> -> memref<1x40x128xi32, #tpu.memory_space<hbm>>
      %dma_start3A_15 = tpu.memref_squeeze %dma_start3A_14 : memref<1x40x128xi32, #tpu.memory_space<hbm>> -> memref<40x128xi32, #tpu.memory_space<hbm>>
      tpu.enqueue_dma source(%dma_start3A_15 : memref<40x128xi32, #tpu.memory_space<hbm>>) target(%arg7 : memref<40x128xi32, #tpu.memory_space<vmem>>) target_semaphore(%run_scoped3A : memref<!tpu.dma_semaphore, #tpu.memory_space<semaphore_mem>>)
      %dma_wait3A = arith.constant 0 : i32
      %dma_wait3A_16 = arith.constant 0 : i32
      %dma_wait3A_17 = tpu.memref_slice %arg2[%add3A, %dma_wait3A, %dma_wait3A_16] : memref<32x40x128xi32, #tpu.memory_space<hbm>> -> memref<1x40x128xi32, #tpu.memory_space<hbm>>
      %dma_wait3A_18 = tpu.memref_squeeze %dma_wait3A_17 : memref<1x40x128xi32, #tpu.memory_space<hbm>> -> memref<40x128xi32, #tpu.memory_space<hbm>>
      %dma_wait3A_19 = arith.constant 0 : i32
      %dma_wait3A_20 = arith.constant 0 : i32
      %dma_wait3A_21 = tpu.memref_slice %arg2[%add3A, %dma_wait3A_19, %dma_wait3A_20] : memref<32x40x128xi32, #tpu.memory_space<hbm>> -> memref<1x40x128xi32, #tpu.memory_space<hbm>>
      %dma_wait3A_22 = tpu.memref_squeeze %dma_wait3A_21 : memref<1x40x128xi32, #tpu.memory_space<hbm>> -> memref<40x128xi32, #tpu.memory_space<hbm>>
      tpu.wait_dma2 semaphore(%run_scoped3A : memref<!tpu.dma_semaphore, #tpu.memory_space<semaphore_mem>>) src(%dma_wait3A_22 : memref<40x128xi32, #tpu.memory_space<hbm>>) dst(%arg7 : memref<40x128xi32, #tpu.memory_space<vmem>>)
      tpu.yield
    }) : () -> ()
    "tpu.region"() ({
      %run_scoped3A = tpu.sem_alloc : memref<!tpu.dma_semaphore, #tpu.memory_space<semaphore_mem>>
      %dma_start3A = arith.constant 0 : i32
      %dma_start3A_9 = arith.constant 0 : i32
      %dma_start3A_10 = tpu.memref_slice %arg3[%add3A, %dma_start3A, %dma_start3A_9] : memref<32x40x128xi32, #tpu.memory_space<hbm>> -> memref<1x40x128xi32, #tpu.memory_space<hbm>>
      %dma_start3A_11 = tpu.memref_squeeze %dma_start3A_10 : memref<1x40x128xi32, #tpu.memory_space<hbm>> -> memref<40x128xi32, #tpu.memory_space<hbm>>
      %dma_start3A_12 = arith.constant 0 : i32
      %dma_start3A_13 = arith.constant 0 : i32
      %dma_start3A_14 = tpu.memref_slice %arg3[%add3A, %dma_start3A_12, %dma_start3A_13] : memref<32x40x128xi32, #tpu.memory_space<hbm>> -> memref<1x40x128xi32, #tpu.memory_space<hbm>>
      %dma_start3A_15 = tpu.memref_squeeze %dma_start3A_14 : memref<1x40x128xi32, #tpu.memory_space<hbm>> -> memref<40x128xi32, #tpu.memory_space<hbm>>
      tpu.enqueue_dma source(%dma_start3A_15 : memref<40x128xi32, #tpu.memory_space<hbm>>) target(%arg8 : memref<40x128xi32, #tpu.memory_space<vmem>>) target_semaphore(%run_scoped3A : memref<!tpu.dma_semaphore, #tpu.memory_space<semaphore_mem>>)
      %dma_wait3A = arith.constant 0 : i32
      %dma_wait3A_16 = arith.constant 0 : i32
      %dma_wait3A_17 = tpu.memref_slice %arg3[%add3A, %dma_wait3A, %dma_wait3A_16] : memref<32x40x128xi32, #tpu.memory_space<hbm>> -> memref<1x40x128xi32, #tpu.memory_space<hbm>>
      %dma_wait3A_18 = tpu.memref_squeeze %dma_wait3A_17 : memref<1x40x128xi32, #tpu.memory_space<hbm>> -> memref<40x128xi32, #tpu.memory_space<hbm>>
      %dma_wait3A_19 = arith.constant 0 : i32
      %dma_wait3A_20 = arith.constant 0 : i32
      %dma_wait3A_21 = tpu.memref_slice %arg3[%add3A, %dma_wait3A_19, %dma_wait3A_20] : memref<32x40x128xi32, #tpu.memory_space<hbm>> -> memref<1x40x128xi32, #tpu.memory_space<hbm>>
      %dma_wait3A_22 = tpu.memref_squeeze %dma_wait3A_21 : memref<1x40x128xi32, #tpu.memory_space<hbm>> -> memref<40x128xi32, #tpu.memory_space<hbm>>
      tpu.wait_dma2 semaphore(%run_scoped3A : memref<!tpu.dma_semaphore, #tpu.memory_space<semaphore_mem>>) src(%dma_wait3A_22 : memref<40x128xi32, #tpu.memory_space<hbm>>) dst(%arg8 : memref<40x128xi32, #tpu.memory_space<vmem>>)
      tpu.yield
    }) : () -> ()
    %barrier3A = arith.constant 0 : index
    tpu.barrier barrier_id(%barrier3A)
    %scan3A = arith.constant 0 : i32
    %scan3A_3 = arith.constant 0 : i32
    %scan3A_4 = arith.constant 40 : i32
    %scan3A_5 = arith.addi %scan3A_3, %scan3A_4 : i32
    %scan3A_6 = arith.constant 1 : i32
    scf.for %scan3A_9 = %scan3A_3 to %scan3A_5 step %scan3A_6  : i32 {
      %dma_start3A = arith.constant 0 : i32
      %dma_start3A_10 = tpu.memref_slice %arg7[%scan3A_9, %dma_start3A] : memref<40x128xi32, #tpu.memory_space<vmem>> -> memref<1x128xi32, #tpu.memory_space<vmem>>
      %dma_start3A_11 = tpu.memref_squeeze %dma_start3A_10 : memref<1x128xi32, #tpu.memory_space<vmem>> -> memref<128xi32, #tpu.memory_space<vmem>>
      %dma_start3A_12 = arith.constant 0 : i32
      %dma_start3A_13 = arith.constant 0 : i32
      %dma_start3A_14 = tpu.memref_slice %arg4[%dma_start3A_12, %dma_start3A_13] : memref<10000x32xf32, #tpu.memory_space<hbm>> -> memref<10000x32xf32, #tpu.memory_space<hbm>>
      tpu.enqueue_indirect_dma source(%dma_start3A_14 : memref<10000x32xf32, #tpu.memory_space<hbm>>) target(%arg9 : memref<128x32xf32, #tpu.memory_space<vmem>>) offsets(%dma_start3A_11 : memref<128xi32, #tpu.memory_space<vmem>>) semaphore(%arg12 : memref<!tpu.dma_semaphore, #tpu.memory_space<semaphore_mem>>)
      %dma_wait3A = arith.constant 0 : i32
      %dma_wait3A_15 = tpu.memref_slice %arg7[%scan3A_9, %dma_wait3A] : memref<40x128xi32, #tpu.memory_space<vmem>> -> memref<1x128xi32, #tpu.memory_space<vmem>>
      %dma_wait3A_16 = tpu.memref_squeeze %dma_wait3A_15 : memref<1x128xi32, #tpu.memory_space<vmem>> -> memref<128xi32, #tpu.memory_space<vmem>>
      %dma_wait3A_17 = arith.constant 0 : i32
      %dma_wait3A_18 = arith.constant 0 : i32
      %dma_wait3A_19 = tpu.memref_slice %arg4[%dma_wait3A_17, %dma_wait3A_18] : memref<10000x32xf32, #tpu.memory_space<hbm>> -> memref<10000x32xf32, #tpu.memory_space<hbm>>
      tpu.wait_indirect_dma semaphore(%arg12 : memref<!tpu.dma_semaphore, #tpu.memory_space<semaphore_mem>>) src(%dma_wait3A_19 : memref<10000x32xf32, #tpu.memory_space<hbm>>) dst(%arg9 : memref<128x32xf32, #tpu.memory_space<vmem>>)
      "tpu.region"() ({
        %run_scoped3A = tpu.sem_alloc : memref<!tpu.dma_semaphore, #tpu.memory_space<semaphore_mem>>
        %dma_start3A_20 = arith.constant 0 : i32
        %dma_start3A_21 = tpu.memref_slice %arg8[%scan3A_9, %dma_start3A_20] : memref<40x128xi32, #tpu.memory_space<vmem>> -> memref<1x128xi32, #tpu.memory_space<vmem>>
        %dma_start3A_22 = tpu.memref_squeeze %dma_start3A_21 : memref<1x128xi32, #tpu.memory_space<vmem>> -> memref<128xi32, #tpu.memory_space<vmem>>
        %dma_start3A_23 = arith.constant 0 : i32
        %dma_start3A_24 = arith.constant 0 : i32
        %dma_start3A_25 = tpu.memref_slice %arg11[%dma_start3A_23, %dma_start3A_24] : memref<10112x32xf32, #tpu.memory_space<vmem_shared>> -> memref<10112x32xf32, #tpu.memory_space<vmem_shared>>
        tpu.enqueue_indirect_dma source(%arg9 : memref<128x32xf32, #tpu.memory_space<vmem>>) target(%dma_start3A_25 : memref<10112x32xf32, #tpu.memory_space<vmem_shared>>) offsets(%dma_start3A_22 : memref<128xi32, #tpu.memory_space<vmem>>) semaphore(%run_scoped3A : memref<!tpu.dma_semaphore, #tpu.memory_space<semaphore_mem>>) {add = true}
        %dma_wait3A_26 = arith.constant 0 : i32
        %dma_wait3A_27 = tpu.memref_slice %arg8[%scan3A_9, %dma_wait3A_26] : memref<40x128xi32, #tpu.memory_space<vmem>> -> memref<1x128xi32, #tpu.memory_space<vmem>>
        %dma_wait3A_28 = tpu.memref_squeeze %dma_wait3A_27 : memref<1x128xi32, #tpu.memory_space<vmem>> -> memref<128xi32, #tpu.memory_space<vmem>>
        %dma_wait3A_29 = arith.constant 0 : i32
        %dma_wait3A_30 = arith.constant 0 : i32
        %dma_wait3A_31 = tpu.memref_slice %arg11[%dma_wait3A_29, %dma_wait3A_30] : memref<10112x32xf32, #tpu.memory_space<vmem_shared>> -> memref<10112x32xf32, #tpu.memory_space<vmem_shared>>
        tpu.wait_indirect_dma semaphore(%run_scoped3A : memref<!tpu.dma_semaphore, #tpu.memory_space<semaphore_mem>>) src(%arg9 : memref<128x32xf32, #tpu.memory_space<vmem>>) dst(%dma_wait3A_31 : memref<10112x32xf32, #tpu.memory_space<vmem_shared>>)
        tpu.yield
      }) : () -> ()
    }
    %scan3A_7 = arith.constant 40 : i32
    %barrier3A_8 = arith.constant 0 : index
    tpu.barrier barrier_id(%barrier3A_8)
    "tpu.region"() ({
      %run_scoped3A = tpu.sem_alloc : memref<!tpu.dma_semaphore, #tpu.memory_space<semaphore_mem>>
      %dma_start3A = arith.constant 0 : i32
      %dma_start3A_9 = tpu.memref_slice %arg11[%mul3A_2, %dma_start3A] : memref<10112x32xf32, #tpu.memory_space<vmem_shared>> -> memref<632x32xf32, #tpu.memory_space<vmem_shared>>
      %dma_start3A_10 = arith.constant 0 : i32
      %dma_start3A_11 = tpu.memref_slice %arg11[%mul3A_2, %dma_start3A_10] : memref<10112x32xf32, #tpu.memory_space<vmem_shared>> -> memref<632x32xf32, #tpu.memory_space<vmem_shared>>
      tpu.enqueue_dma source(%dma_start3A_11 : memref<632x32xf32, #tpu.memory_space<vmem_shared>>) target(%arg10 : memref<632x32xf32, #tpu.memory_space<vmem>>) target_semaphore(%run_scoped3A : memref<!tpu.dma_semaphore, #tpu.memory_space<semaphore_mem>>)
      %dma_wait3A = arith.constant 0 : i32
      %dma_wait3A_12 = tpu.memref_slice %arg11[%mul3A_2, %dma_wait3A] : memref<10112x32xf32, #tpu.memory_space<vmem_shared>> -> memref<632x32xf32, #tpu.memory_space<vmem_shared>>
      %dma_wait3A_13 = arith.constant 0 : i32
      %dma_wait3A_14 = tpu.memref_slice %arg11[%mul3A_2, %dma_wait3A_13] : memref<10112x32xf32, #tpu.memory_space<vmem_shared>> -> memref<632x32xf32, #tpu.memory_space<vmem_shared>>
      tpu.wait_dma2 semaphore(%run_scoped3A : memref<!tpu.dma_semaphore, #tpu.memory_space<semaphore_mem>>) src(%dma_wait3A_14 : memref<632x32xf32, #tpu.memory_space<vmem_shared>>) dst(%arg10 : memref<632x32xf32, #tpu.memory_space<vmem>>)
      tpu.yield
    }) : () -> ()
    "tpu.region"() ({
      %run_scoped3A = tpu.sem_alloc : memref<!tpu.dma_semaphore, #tpu.memory_space<semaphore_mem>>
      %dma_start3A = arith.constant 0 : i32
      %dma_start3A_9 = tpu.memref_slice %arg6[%arg0, %mul3A_2, %dma_start3A] : memref<2x10112x32xf32, #tpu.memory_space<hbm>> -> memref<1x632x32xf32, #tpu.memory_space<hbm>>
      %dma_start3A_10 = tpu.memref_squeeze %dma_start3A_9 : memref<1x632x32xf32, #tpu.memory_space<hbm>> -> memref<632x32xf32, #tpu.memory_space<hbm>>
      %dma_start3A_11 = arith.constant 0 : i32
      %dma_start3A_12 = tpu.memref_slice %arg6[%arg0, %mul3A_2, %dma_start3A_11] : memref<2x10112x32xf32, #tpu.memory_space<hbm>> -> memref<1x632x32xf32, #tpu.memory_space<hbm>>
      %dma_start3A_13 = tpu.memref_squeeze %dma_start3A_12 : memref<1x632x32xf32, #tpu.memory_space<hbm>> -> memref<632x32xf32, #tpu.memory_space<hbm>>
      tpu.enqueue_dma source(%arg10 : memref<632x32xf32, #tpu.memory_space<vmem>>) target(%dma_start3A_13 : memref<632x32xf32, #tpu.memory_space<hbm>>) target_semaphore(%run_scoped3A : memref<!tpu.dma_semaphore, #tpu.memory_space<semaphore_mem>>)
      %dma_wait3A = arith.constant 0 : i32
      %dma_wait3A_14 = tpu.memref_slice %arg6[%arg0, %mul3A_2, %dma_wait3A] : memref<2x10112x32xf32, #tpu.memory_space<hbm>> -> memref<1x632x32xf32, #tpu.memory_space<hbm>>
      %dma_wait3A_15 = tpu.memref_squeeze %dma_wait3A_14 : memref<1x632x32xf32, #tpu.memory_space<hbm>> -> memref<632x32xf32, #tpu.memory_space<hbm>>
      %dma_wait3A_16 = arith.constant 0 : i32
      %dma_wait3A_17 = tpu.memref_slice %arg6[%arg0, %mul3A_2, %dma_wait3A_16] : memref<2x10112x32xf32, #tpu.memory_space<hbm>> -> memref<1x632x32xf32, #tpu.memory_space<hbm>>
      %dma_wait3A_18 = tpu.memref_squeeze %dma_wait3A_17 : memref<1x632x32xf32, #tpu.memory_space<hbm>> -> memref<632x32xf32, #tpu.memory_space<hbm>>
      tpu.wait_dma2 semaphore(%run_scoped3A : memref<!tpu.dma_semaphore, #tpu.memory_space<semaphore_mem>>) src(%arg10 : memref<632x32xf32, #tpu.memory_space<vmem>>) dst(%dma_wait3A_18 : memref<632x32xf32, #tpu.memory_space<hbm>>)
      tpu.yield
    }) : () -> ()
    return
  }
}

#map = affine_map<(d0, d1) -> (0, 0, 0)>
#map1 = affine_map<(d0, d1) -> (0, 0)>
module attributes {stable_mosaic.version = 14 : i64} {
  func.func @seg_sum(%arg0: i32, %arg1: i32, %arg2: memref<32x40x128xi32, #tpu.memory_space<hbm>>, %arg3: memref<32x40x128xi32, #tpu.memory_space<hbm>>, %arg4: memref<10000x16xf32, #tpu.memory_space<hbm>>, %arg5: memref<632x16xf32, #tpu.memory_space<hbm>>, %arg6: memref<2x10112x16xf32, #tpu.memory_space<hbm>>, %arg7: memref<40x128xi32, #tpu.memory_space<vmem>>, %arg8: memref<40x128xi32, #tpu.memory_space<vmem>>, %arg9: memref<128x16xf32, #tpu.memory_space<vmem>>, %arg10: memref<632x16xf32, #tpu.memory_space<vmem>>, %arg11: memref<10112x16xf32, #tpu.memory_space<vmem_shared>>, %arg12: memref<!tpu.dma_semaphore, #tpu.memory_space<semaphore_mem>>) attributes {dimension_semantics = [#tpu.dimension_semantics<core_parallel>, #tpu.dimension_semantics<subcore_parallel>], iteration_bounds = array<i64: 2, 16>, scalar_prefetch = 0 : i64, scratch_operands = 6 : i64, tpu.core_type = #tpu.core_type<sc_vector_subcore>, window_params = [{transform_indices = #map}, {transform_indices = #map}, {transform_indices = #map1}, {transform_indices = #map1}, {transform_indices = #map}]} {
    %mul3A = arith.constant 2 : i32
    %mul3A_0 = arith.muli %arg1, %mul3A : i32
    %add3A = arith.addi %mul3A_0, %arg0 : i32
    %mul3A_1 = arith.constant 632 : i32
    %mul3A_2 = arith.muli %arg1, %mul3A_1 : i32
    "tpu.region"() ({
      %run_scoped3A = tpu.sem_alloc : memref<!tpu.dma_semaphore, #tpu.memory_space<semaphore_mem>>
      tpu.enqueue_dma source(%arg5 : memref<632x16xf32, #tpu.memory_space<hbm>>) target(%arg10 : memref<632x16xf32, #tpu.memory_space<vmem>>) target_semaphore(%run_scoped3A : memref<!tpu.dma_semaphore, #tpu.memory_space<semaphore_mem>>)
      tpu.wait_dma2 semaphore(%run_scoped3A : memref<!tpu.dma_semaphore, #tpu.memory_space<semaphore_mem>>) src(%arg5 : memref<632x16xf32, #tpu.memory_space<hbm>>) dst(%arg10 : memref<632x16xf32, #tpu.memory_space<vmem>>)
      tpu.yield
    }) : () -> ()
    "tpu.region"() ({
      %run_scoped3A = tpu.sem_alloc : memref<!tpu.dma_semaphore, #tpu.memory_space<semaphore_mem>>
      %dma_start3A = arith.constant 0 : i32
      %dma_start3A_9 = tpu.memref_slice %arg11[%mul3A_2, %dma_start3A] : memref<10112x16xf32, #tpu.memory_space<vmem_shared>> -> memref<632x16xf32, #tpu.memory_space<vmem_shared>>
      %dma_start3A_10 = arith.constant 0 : i32
      %dma_start3A_11 = tpu.memref_slice %arg11[%mul3A_2, %dma_start3A_10] : memref<10112x16xf32, #tpu.memory_space<vmem_shared>> -> memref<632x16xf32, #tpu.memory_space<vmem_shared>>
      tpu.enqueue_dma source(%arg10 : memref<632x16xf32, #tpu.memory_space<vmem>>) target(%dma_start3A_11 : memref<632x16xf32, #tpu.memory_space<vmem_shared>>) target_semaphore(%run_scoped3A : memref<!tpu.dma_semaphore, #tpu.memory_space<semaphore_mem>>)
      %dma_wait3A = arith.constant 0 : i32
      %dma_wait3A_12 = tpu.memref_slice %arg11[%mul3A_2, %dma_wait3A] : memref<10112x16xf32, #tpu.memory_space<vmem_shared>> -> memref<632x16xf32, #tpu.memory_space<vmem_shared>>
      %dma_wait3A_13 = arith.constant 0 : i32
      %dma_wait3A_14 = tpu.memref_slice %arg11[%mul3A_2, %dma_wait3A_13] : memref<10112x16xf32, #tpu.memory_space<vmem_shared>> -> memref<632x16xf32, #tpu.memory_space<vmem_shared>>
      tpu.wait_dma2 semaphore(%run_scoped3A : memref<!tpu.dma_semaphore, #tpu.memory_space<semaphore_mem>>) src(%arg10 : memref<632x16xf32, #tpu.memory_space<vmem>>) dst(%dma_wait3A_14 : memref<632x16xf32, #tpu.memory_space<vmem_shared>>)
      tpu.yield
    }) : () -> ()
    "tpu.region"() ({
      %run_scoped3A = tpu.sem_alloc : memref<!tpu.dma_semaphore, #tpu.memory_space<semaphore_mem>>
      %dma_start3A = arith.constant 0 : i32
      %dma_start3A_9 = arith.constant 0 : i32
      %dma_start3A_10 = tpu.memref_slice %arg2[%add3A, %dma_start3A, %dma_start3A_9] : memref<32x40x128xi32, #tpu.memory_space<hbm>> -> memref<1x40x128xi32, #tpu.memory_space<hbm>>
      %dma_start3A_11 = tpu.memref_squeeze %dma_start3A_10 : memref<1x40x128xi32, #tpu.memory_space<hbm>> -> memref<40x128xi32, #tpu.memory_space<hbm>>
      %dma_start3A_12 = arith.constant 0 : i32
      %dma_start3A_13 = arith.constant 0 : i32
      %dma_start3A_14 = tpu.memref_slice %arg2[%add3A, %dma_start3A_12, %dma_start3A_13] : memref<32x40x128xi32, #tpu.memory_space<hbm>> -> memref<1x40x128xi32, #tpu.memory_space<hbm>>
      %dma_start3A_15 = tpu.memref_squeeze %dma_start3A_14 : memref<1x40x128xi32, #tpu.memory_space<hbm>> -> memref<40x128xi32, #tpu.memory_space<hbm>>
      tpu.enqueue_dma source(%dma_start3A_15 : memref<40x128xi32, #tpu.memory_space<hbm>>) target(%arg7 : memref<40x128xi32, #tpu.memory_space<vmem>>) target_semaphore(%run_scoped3A : memref<!tpu.dma_semaphore, #tpu.memory_space<semaphore_mem>>)
      %dma_wait3A = arith.constant 0 : i32
      %dma_wait3A_16 = arith.constant 0 : i32
      %dma_wait3A_17 = tpu.memref_slice %arg2[%add3A, %dma_wait3A, %dma_wait3A_16] : memref<32x40x128xi32, #tpu.memory_space<hbm>> -> memref<1x40x128xi32, #tpu.memory_space<hbm>>
      %dma_wait3A_18 = tpu.memref_squeeze %dma_wait3A_17 : memref<1x40x128xi32, #tpu.memory_space<hbm>> -> memref<40x128xi32, #tpu.memory_space<hbm>>
      %dma_wait3A_19 = arith.constant 0 : i32
      %dma_wait3A_20 = arith.constant 0 : i32
      %dma_wait3A_21 = tpu.memref_slice %arg2[%add3A, %dma_wait3A_19, %dma_wait3A_20] : memref<32x40x128xi32, #tpu.memory_space<hbm>> -> memref<1x40x128xi32, #tpu.memory_space<hbm>>
      %dma_wait3A_22 = tpu.memref_squeeze %dma_wait3A_21 : memref<1x40x128xi32, #tpu.memory_space<hbm>> -> memref<40x128xi32, #tpu.memory_space<hbm>>
      tpu.wait_dma2 semaphore(%run_scoped3A : memref<!tpu.dma_semaphore, #tpu.memory_space<semaphore_mem>>) src(%dma_wait3A_22 : memref<40x128xi32, #tpu.memory_space<hbm>>) dst(%arg7 : memref<40x128xi32, #tpu.memory_space<vmem>>)
      tpu.yield
    }) : () -> ()
    "tpu.region"() ({
      %run_scoped3A = tpu.sem_alloc : memref<!tpu.dma_semaphore, #tpu.memory_space<semaphore_mem>>
      %dma_start3A = arith.constant 0 : i32
      %dma_start3A_9 = arith.constant 0 : i32
      %dma_start3A_10 = tpu.memref_slice %arg3[%add3A, %dma_start3A, %dma_start3A_9] : memref<32x40x128xi32, #tpu.memory_space<hbm>> -> memref<1x40x128xi32, #tpu.memory_space<hbm>>
      %dma_start3A_11 = tpu.memref_squeeze %dma_start3A_10 : memref<1x40x128xi32, #tpu.memory_space<hbm>> -> memref<40x128xi32, #tpu.memory_space<hbm>>
      %dma_start3A_12 = arith.constant 0 : i32
      %dma_start3A_13 = arith.constant 0 : i32
      %dma_start3A_14 = tpu.memref_slice %arg3[%add3A, %dma_start3A_12, %dma_start3A_13] : memref<32x40x128xi32, #tpu.memory_space<hbm>> -> memref<1x40x128xi32, #tpu.memory_space<hbm>>
      %dma_start3A_15 = tpu.memref_squeeze %dma_start3A_14 : memref<1x40x128xi32, #tpu.memory_space<hbm>> -> memref<40x128xi32, #tpu.memory_space<hbm>>
      tpu.enqueue_dma source(%dma_start3A_15 : memref<40x128xi32, #tpu.memory_space<hbm>>) target(%arg8 : memref<40x128xi32, #tpu.memory_space<vmem>>) target_semaphore(%run_scoped3A : memref<!tpu.dma_semaphore, #tpu.memory_space<semaphore_mem>>)
      %dma_wait3A = arith.constant 0 : i32
      %dma_wait3A_16 = arith.constant 0 : i32
      %dma_wait3A_17 = tpu.memref_slice %arg3[%add3A, %dma_wait3A, %dma_wait3A_16] : memref<32x40x128xi32, #tpu.memory_space<hbm>> -> memref<1x40x128xi32, #tpu.memory_space<hbm>>
      %dma_wait3A_18 = tpu.memref_squeeze %dma_wait3A_17 : memref<1x40x128xi32, #tpu.memory_space<hbm>> -> memref<40x128xi32, #tpu.memory_space<hbm>>
      %dma_wait3A_19 = arith.constant 0 : i32
      %dma_wait3A_20 = arith.constant 0 : i32
      %dma_wait3A_21 = tpu.memref_slice %arg3[%add3A, %dma_wait3A_19, %dma_wait3A_20] : memref<32x40x128xi32, #tpu.memory_space<hbm>> -> memref<1x40x128xi32, #tpu.memory_space<hbm>>
      %dma_wait3A_22 = tpu.memref_squeeze %dma_wait3A_21 : memref<1x40x128xi32, #tpu.memory_space<hbm>> -> memref<40x128xi32, #tpu.memory_space<hbm>>
      tpu.wait_dma2 semaphore(%run_scoped3A : memref<!tpu.dma_semaphore, #tpu.memory_space<semaphore_mem>>) src(%dma_wait3A_22 : memref<40x128xi32, #tpu.memory_space<hbm>>) dst(%arg8 : memref<40x128xi32, #tpu.memory_space<vmem>>)
      tpu.yield
    }) : () -> ()
    %barrier3A = arith.constant 0 : index
    tpu.barrier barrier_id(%barrier3A)
    %scan3A = arith.constant 0 : i32
    %scan3A_3 = arith.constant 0 : i32
    %scan3A_4 = arith.constant 40 : i32
    %scan3A_5 = arith.addi %scan3A_3, %scan3A_4 : i32
    %scan3A_6 = arith.constant 1 : i32
    scf.for %scan3A_9 = %scan3A_3 to %scan3A_5 step %scan3A_6  : i32 {
      %dma_start3A = arith.constant 0 : i32
      %dma_start3A_10 = tpu.memref_slice %arg7[%scan3A_9, %dma_start3A] : memref<40x128xi32, #tpu.memory_space<vmem>> -> memref<1x128xi32, #tpu.memory_space<vmem>>
      %dma_start3A_11 = tpu.memref_squeeze %dma_start3A_10 : memref<1x128xi32, #tpu.memory_space<vmem>> -> memref<128xi32, #tpu.memory_space<vmem>>
      %dma_start3A_12 = arith.constant 0 : i32
      %dma_start3A_13 = arith.constant 0 : i32
      %dma_start3A_14 = tpu.memref_slice %arg4[%dma_start3A_12, %dma_start3A_13] : memref<10000x16xf32, #tpu.memory_space<hbm>> -> memref<10000x16xf32, #tpu.memory_space<hbm>>
      tpu.enqueue_indirect_dma source(%dma_start3A_14 : memref<10000x16xf32, #tpu.memory_space<hbm>>) target(%arg9 : memref<128x16xf32, #tpu.memory_space<vmem>>) offsets(%dma_start3A_11 : memref<128xi32, #tpu.memory_space<vmem>>) semaphore(%arg12 : memref<!tpu.dma_semaphore, #tpu.memory_space<semaphore_mem>>)
      %dma_wait3A = arith.constant 0 : i32
      %dma_wait3A_15 = tpu.memref_slice %arg7[%scan3A_9, %dma_wait3A] : memref<40x128xi32, #tpu.memory_space<vmem>> -> memref<1x128xi32, #tpu.memory_space<vmem>>
      %dma_wait3A_16 = tpu.memref_squeeze %dma_wait3A_15 : memref<1x128xi32, #tpu.memory_space<vmem>> -> memref<128xi32, #tpu.memory_space<vmem>>
      %dma_wait3A_17 = arith.constant 0 : i32
      %dma_wait3A_18 = arith.constant 0 : i32
      %dma_wait3A_19 = tpu.memref_slice %arg4[%dma_wait3A_17, %dma_wait3A_18] : memref<10000x16xf32, #tpu.memory_space<hbm>> -> memref<10000x16xf32, #tpu.memory_space<hbm>>
      tpu.wait_indirect_dma semaphore(%arg12 : memref<!tpu.dma_semaphore, #tpu.memory_space<semaphore_mem>>) src(%dma_wait3A_19 : memref<10000x16xf32, #tpu.memory_space<hbm>>) dst(%arg9 : memref<128x16xf32, #tpu.memory_space<vmem>>)
      "tpu.region"() ({
        %run_scoped3A = tpu.sem_alloc : memref<!tpu.dma_semaphore, #tpu.memory_space<semaphore_mem>>
        %dma_start3A_20 = arith.constant 0 : i32
        %dma_start3A_21 = tpu.memref_slice %arg8[%scan3A_9, %dma_start3A_20] : memref<40x128xi32, #tpu.memory_space<vmem>> -> memref<1x128xi32, #tpu.memory_space<vmem>>
        %dma_start3A_22 = tpu.memref_squeeze %dma_start3A_21 : memref<1x128xi32, #tpu.memory_space<vmem>> -> memref<128xi32, #tpu.memory_space<vmem>>
        %dma_start3A_23 = arith.constant 0 : i32
        %dma_start3A_24 = arith.constant 0 : i32
        %dma_start3A_25 = tpu.memref_slice %arg11[%dma_start3A_23, %dma_start3A_24] : memref<10112x16xf32, #tpu.memory_space<vmem_shared>> -> memref<10112x16xf32, #tpu.memory_space<vmem_shared>>
        tpu.enqueue_indirect_dma source(%arg9 : memref<128x16xf32, #tpu.memory_space<vmem>>) target(%dma_start3A_25 : memref<10112x16xf32, #tpu.memory_space<vmem_shared>>) offsets(%dma_start3A_22 : memref<128xi32, #tpu.memory_space<vmem>>) semaphore(%run_scoped3A : memref<!tpu.dma_semaphore, #tpu.memory_space<semaphore_mem>>) {add = true}
        %dma_wait3A_26 = arith.constant 0 : i32
        %dma_wait3A_27 = tpu.memref_slice %arg8[%scan3A_9, %dma_wait3A_26] : memref<40x128xi32, #tpu.memory_space<vmem>> -> memref<1x128xi32, #tpu.memory_space<vmem>>
        %dma_wait3A_28 = tpu.memref_squeeze %dma_wait3A_27 : memref<1x128xi32, #tpu.memory_space<vmem>> -> memref<128xi32, #tpu.memory_space<vmem>>
        %dma_wait3A_29 = arith.constant 0 : i32
        %dma_wait3A_30 = arith.constant 0 : i32
        %dma_wait3A_31 = tpu.memref_slice %arg11[%dma_wait3A_29, %dma_wait3A_30] : memref<10112x16xf32, #tpu.memory_space<vmem_shared>> -> memref<10112x16xf32, #tpu.memory_space<vmem_shared>>
        tpu.wait_indirect_dma semaphore(%run_scoped3A : memref<!tpu.dma_semaphore, #tpu.memory_space<semaphore_mem>>) src(%arg9 : memref<128x16xf32, #tpu.memory_space<vmem>>) dst(%dma_wait3A_31 : memref<10112x16xf32, #tpu.memory_space<vmem_shared>>)
        tpu.yield
      }) : () -> ()
    }
    %scan3A_7 = arith.constant 40 : i32
    %barrier3A_8 = arith.constant 0 : index
    tpu.barrier barrier_id(%barrier3A_8)
    "tpu.region"() ({
      %run_scoped3A = tpu.sem_alloc : memref<!tpu.dma_semaphore, #tpu.memory_space<semaphore_mem>>
      %dma_start3A = arith.constant 0 : i32
      %dma_start3A_9 = tpu.memref_slice %arg11[%mul3A_2, %dma_start3A] : memref<10112x16xf32, #tpu.memory_space<vmem_shared>> -> memref<632x16xf32, #tpu.memory_space<vmem_shared>>
      %dma_start3A_10 = arith.constant 0 : i32
      %dma_start3A_11 = tpu.memref_slice %arg11[%mul3A_2, %dma_start3A_10] : memref<10112x16xf32, #tpu.memory_space<vmem_shared>> -> memref<632x16xf32, #tpu.memory_space<vmem_shared>>
      tpu.enqueue_dma source(%dma_start3A_11 : memref<632x16xf32, #tpu.memory_space<vmem_shared>>) target(%arg10 : memref<632x16xf32, #tpu.memory_space<vmem>>) target_semaphore(%run_scoped3A : memref<!tpu.dma_semaphore, #tpu.memory_space<semaphore_mem>>)
      %dma_wait3A = arith.constant 0 : i32
      %dma_wait3A_12 = tpu.memref_slice %arg11[%mul3A_2, %dma_wait3A] : memref<10112x16xf32, #tpu.memory_space<vmem_shared>> -> memref<632x16xf32, #tpu.memory_space<vmem_shared>>
      %dma_wait3A_13 = arith.constant 0 : i32
      %dma_wait3A_14 = tpu.memref_slice %arg11[%mul3A_2, %dma_wait3A_13] : memref<10112x16xf32, #tpu.memory_space<vmem_shared>> -> memref<632x16xf32, #tpu.memory_space<vmem_shared>>
      tpu.wait_dma2 semaphore(%run_scoped3A : memref<!tpu.dma_semaphore, #tpu.memory_space<semaphore_mem>>) src(%dma_wait3A_14 : memref<632x16xf32, #tpu.memory_space<vmem_shared>>) dst(%arg10 : memref<632x16xf32, #tpu.memory_space<vmem>>)
      tpu.yield
    }) : () -> ()
    "tpu.region"() ({
      %run_scoped3A = tpu.sem_alloc : memref<!tpu.dma_semaphore, #tpu.memory_space<semaphore_mem>>
      %dma_start3A = arith.constant 0 : i32
      %dma_start3A_9 = tpu.memref_slice %arg6[%arg0, %mul3A_2, %dma_start3A] : memref<2x10112x16xf32, #tpu.memory_space<hbm>> -> memref<1x632x16xf32, #tpu.memory_space<hbm>>
      %dma_start3A_10 = tpu.memref_squeeze %dma_start3A_9 : memref<1x632x16xf32, #tpu.memory_space<hbm>> -> memref<632x16xf32, #tpu.memory_space<hbm>>
      %dma_start3A_11 = arith.constant 0 : i32
      %dma_start3A_12 = tpu.memref_slice %arg6[%arg0, %mul3A_2, %dma_start3A_11] : memref<2x10112x16xf32, #tpu.memory_space<hbm>> -> memref<1x632x16xf32, #tpu.memory_space<hbm>>
      %dma_start3A_13 = tpu.memref_squeeze %dma_start3A_12 : memref<1x632x16xf32, #tpu.memory_space<hbm>> -> memref<632x16xf32, #tpu.memory_space<hbm>>
      tpu.enqueue_dma source(%arg10 : memref<632x16xf32, #tpu.memory_space<vmem>>) target(%dma_start3A_13 : memref<632x16xf32, #tpu.memory_space<hbm>>) target_semaphore(%run_scoped3A : memref<!tpu.dma_semaphore, #tpu.memory_space<semaphore_mem>>)
      %dma_wait3A = arith.constant 0 : i32
      %dma_wait3A_14 = tpu.memref_slice %arg6[%arg0, %mul3A_2, %dma_wait3A] : memref<2x10112x16xf32, #tpu.memory_space<hbm>> -> memref<1x632x16xf32, #tpu.memory_space<hbm>>
      %dma_wait3A_15 = tpu.memref_squeeze %dma_wait3A_14 : memref<1x632x16xf32, #tpu.memory_space<hbm>> -> memref<632x16xf32, #tpu.memory_space<hbm>>
      %dma_wait3A_16 = arith.constant 0 : i32
      %dma_wait3A_17 = tpu.memref_slice %arg6[%arg0, %mul3A_2, %dma_wait3A_16] : memref<2x10112x16xf32, #tpu.memory_space<hbm>> -> memref<1x632x16xf32, #tpu.memory_space<hbm>>
      %dma_wait3A_18 = tpu.memref_squeeze %dma_wait3A_17 : memref<1x632x16xf32, #tpu.memory_space<hbm>> -> memref<632x16xf32, #tpu.memory_space<hbm>>
      tpu.wait_dma2 semaphore(%run_scoped3A : memref<!tpu.dma_semaphore, #tpu.memory_space<semaphore_mem>>) src(%arg10 : memref<632x16xf32, #tpu.memory_space<vmem>>) dst(%dma_wait3A_18 : memref<632x16xf32, #tpu.memory_space<hbm>>)
      tpu.yield
    }) : () -> ()
    return
  }
}

module attributes {stable_mosaic.version = 14 : i64} {
  func.func @_proj1_body(%arg0: i32, %arg1: memref<400x500xf32, #tpu.memory_space<vmem>>, %arg2: memref<500x32xf32, #tpu.memory_space<vmem>>, %arg3: memref<500x20xf32, #tpu.memory_space<vmem>>, %arg4: memref<400x32xf32, #tpu.memory_space<vmem>>, %arg5: memref<400x20xf32, #tpu.memory_space<vmem>>) attributes {dimension_semantics = [#tpu.dimension_semantics<arbitrary>], iteration_bounds = array<i64: 25>, scalar_prefetch = 0 : i64, scratch_operands = 0 : i64, tpu.core_type = #tpu.core_type<tc>, window_params = [{transform_indices = @transform_0, window_bounds = array<i64: 400, 500>}, {pipeline_mode = #tpu.pipeline_mode<synchronous>, transform_indices = @transform_1, window_bounds = array<i64: 500, 32>}, {pipeline_mode = #tpu.pipeline_mode<synchronous>, transform_indices = @transform_2, window_bounds = array<i64: 500, 20>}, {transform_indices = @transform_3, window_bounds = array<i64: 400, 32>}, {transform_indices = @transform_4, window_bounds = array<i64: 400, 20>}]} {
    %get3A = arith.constant 0 : index
    %get3A_0 = arith.constant 0 : index
    %get3A_1 = vector.load %arg1[%get3A, %get3A_0] : memref<400x500xf32, #tpu.memory_space<vmem>>, vector<400x500xf32>
    %get3A_2 = arith.constant 0 : index
    %get3A_3 = arith.constant 0 : index
    %get3A_4 = vector.load %arg2[%get3A_2, %get3A_3] : memref<500x32xf32, #tpu.memory_space<vmem>>, vector<500x32xf32>
    %dot_general3A = arith.constant dense<0.000000e+00> : vector<400x32xf32>
    %dot_general3A_5 = tpu.matmul %get3A_1, %get3A_4, %dot_general3A {dimension_numbers = #tpu.dot_dimension_numbers<[1], [0], [0], [1], [0, 0, 1, 1], [], []>, transpose_lhs_hint = false} : vector<400x500xf32>, vector<500x32xf32>, vector<400x32xf32> -> vector<400x32xf32>
    %iota3A = tpu.iota {dimensions = array<i32: 1>} : vector<400x32xi32>
    %eq3A = arith.constant 20 : i32
    %eq3A_6 = vector.broadcast %eq3A : i32 to vector<400x32xi32>
    %eq3A_7 = arith.cmpi eq, %iota3A, %eq3A_6 : vector<400x32xi32>
    %convert_element_type3A = arith.extui %eq3A_7 : vector<400x32xi1> to vector<400x32xi32>
    %convert_element_type3A_8 = arith.sitofp %convert_element_type3A : vector<400x32xi32> to vector<400x32xf32>
    %add3A = arith.addf %dot_general3A_5, %convert_element_type3A_8 : vector<400x32xf32>
    %swap3A = arith.constant 0 : index
    %swap3A_9 = arith.constant 0 : index
    %swap3A_10 = vector.load %arg4[%swap3A, %swap3A_9] : memref<400x32xf32, #tpu.memory_space<vmem>>, vector<400x32xf32>
    tpu.vector_store %arg4[%swap3A, %swap3A_9], %add3A {strides = array<i32>} : memref<400x32xf32, #tpu.memory_space<vmem>>, vector<400x32xf32>,
    %get3A_11 = arith.constant 0 : index
    %get3A_12 = arith.constant 0 : index
    %get3A_13 = vector.load %arg3[%get3A_11, %get3A_12] : memref<500x20xf32, #tpu.memory_space<vmem>>, vector<500x20xf32>
    %dot_general3A_14 = arith.constant dense<0.000000e+00> : vector<400x20xf32>
    %dot_general3A_15 = tpu.matmul %get3A_1, %get3A_13, %dot_general3A_14 {dimension_numbers = #tpu.dot_dimension_numbers<[1], [0], [0], [1], [0, 0, 1, 1], [], []>, transpose_lhs_hint = false} : vector<400x500xf32>, vector<500x20xf32>, vector<400x20xf32> -> vector<400x20xf32>
    %swap3A_16 = arith.constant 0 : index
    %swap3A_17 = arith.constant 0 : index
    %swap3A_18 = vector.load %arg5[%swap3A_16, %swap3A_17] : memref<400x20xf32, #tpu.memory_space<vmem>>, vector<400x20xf32>
    tpu.vector_store %arg5[%swap3A_16, %swap3A_17], %dot_general3A_15 {strides = array<i32>} : memref<400x20xf32, #tpu.memory_space<vmem>>, vector<400x20xf32>,
    return
  }
  func.func @transform_0(%arg0: i32) -> (i32, i32) {
    %c0_i32 = arith.constant 0 : i32
    %c0_i32_0 = arith.constant 0 : i32
    return %arg0, %c0_i32 : i32, i32
  }
  func.func @transform_1(%arg0: i32) -> (i32, i32) {
    %c0_i32 = arith.constant 0 : i32
    %c0_i32_0 = arith.constant 0 : i32
    %c0_i32_1 = arith.constant 0 : i32
    return %c0_i32, %c0_i32_0 : i32, i32
  }
  func.func @transform_2(%arg0: i32) -> (i32, i32) {
    %c0_i32 = arith.constant 0 : i32
    %c0_i32_0 = arith.constant 0 : i32
    %c0_i32_1 = arith.constant 0 : i32
    return %c0_i32, %c0_i32_0 : i32, i32
  }
  func.func @transform_3(%arg0: i32) -> (i32, i32) {
    %c0_i32 = arith.constant 0 : i32
    %c0_i32_0 = arith.constant 0 : i32
    return %arg0, %c0_i32 : i32, i32
  }
  func.func @transform_4(%arg0: i32) -> (i32, i32) {
    %c0_i32 = arith.constant 0 : i32
    %c0_i32_0 = arith.constant 0 : i32
    return %arg0, %c0_i32 : i32, i32
  }
}

module attributes {stable_mosaic.version = 14 : i64} {
  func.func @_mid_body(%arg0: i32, %arg1: memref<2x400x32xf32, #tpu.memory_space<vmem>>, %arg2: memref<400x20xf32, #tpu.memory_space<vmem>>, %arg3: memref<1x20xf32, #tpu.memory_space<vmem>>, %arg4: memref<20x16xf32, #tpu.memory_space<vmem>>, %arg5: memref<20x3xf32, #tpu.memory_space<vmem>>, %arg6: memref<400x16xf32, #tpu.memory_space<vmem>>, %arg7: memref<400x3xf32, #tpu.memory_space<vmem>>, %arg8: memref<400x1xf32, #tpu.memory_space<vmem>>) attributes {dimension_semantics = [#tpu.dimension_semantics<arbitrary>], iteration_bounds = array<i64: 25>, scalar_prefetch = 0 : i64, scratch_operands = 0 : i64, tpu.core_type = #tpu.core_type<tc>, window_params = [{transform_indices = @transform_0, window_bounds = array<i64: 2, 400, 32>}, {transform_indices = @transform_1, window_bounds = array<i64: 400, 20>}, {pipeline_mode = #tpu.pipeline_mode<synchronous>, transform_indices = @transform_2, window_bounds = array<i64: 1, 20>}, {pipeline_mode = #tpu.pipeline_mode<synchronous>, transform_indices = @transform_3, window_bounds = array<i64: 20, 16>}, {pipeline_mode = #tpu.pipeline_mode<synchronous>, transform_indices = @transform_4, window_bounds = array<i64: 20, 3>}, {transform_indices = @transform_5, window_bounds = array<i64: 400, 16>}, {transform_indices = @transform_6, window_bounds = array<i64: 400, 3>}, {transform_indices = @transform_7, window_bounds = array<i64: 400, 1>}]} {
    %get3A = arith.constant 0 : index
    %get3A_0 = arith.constant 0 : index
    %get3A_1 = arith.constant 0 : index
    %get3A_2 = vector.load %arg1[%get3A, %get3A_0, %get3A_1] : memref<2x400x32xf32, #tpu.memory_space<vmem>>, vector<1x400x32xf32>
    %get3A_3 = vector.shape_cast %get3A_2 : vector<1x400x32xf32> to vector<400x32xf32>
    %get3A_4 = arith.constant 1 : index
    %get3A_5 = arith.constant 0 : index
    %get3A_6 = arith.constant 0 : index
    %get3A_7 = vector.load %arg1[%get3A_4, %get3A_5, %get3A_6] : memref<2x400x32xf32, #tpu.memory_space<vmem>>, vector<1x400x32xf32>
    %get3A_8 = vector.shape_cast %get3A_7 : vector<1x400x32xf32> to vector<400x32xf32>
    %add3A = arith.addf %get3A_3, %get3A_8 : vector<400x32xf32>
    %slice3A = vector.extract_strided_slice %add3A {offsets = [0, 20], sizes = [400, 1], strides = [1, 1]} : vector<400x32xf32> to vector<400x1xf32>
    %max3A = arith.constant 1.000000e+00 : f32
    %max3A_9 = vector.broadcast %max3A : f32 to vector<400x1xf32>
    %max3A_10 = arith.maximumf %slice3A, %max3A_9 : vector<400x1xf32>
    %div3A = arith.constant 1.000000e+00 : f32
    %div3A_11 = vector.broadcast %div3A : f32 to vector<400x1xf32>
    %div3A_12 = arith.divf %div3A_11, %max3A_10 : vector<400x1xf32>
    %slice3A_13 = vector.extract_strided_slice %add3A {offsets = [0, 0], sizes = [400, 20], strides = [1, 1]} : vector<400x32xf32> to vector<400x20xf32>
    %mul3A = vector.broadcast %div3A_12 : vector<400x1xf32> to vector<400x20xf32>
    %mul3A_14 = arith.mulf %slice3A_13, %mul3A : vector<400x20xf32>
    %get3A_15 = arith.constant 0 : index
    %get3A_16 = arith.constant 0 : index
    %get3A_17 = vector.load %arg3[%get3A_15, %get3A_16] : memref<1x20xf32, #tpu.memory_space<vmem>>, vector<1x20xf32>
    %add3A_18 = vector.broadcast %get3A_17 : vector<1x20xf32> to vector<400x20xf32>
    %add3A_19 = arith.addf %mul3A_14, %add3A_18 : vector<400x20xf32>
    %get3A_20 = arith.constant 0 : index
    %get3A_21 = arith.constant 0 : index
    %get3A_22 = vector.load %arg2[%get3A_20, %get3A_21] : memref<400x20xf32, #tpu.memory_space<vmem>>, vector<400x20xf32>
    %add3A_23 = arith.addf %add3A_19, %get3A_22 : vector<400x20xf32>
    %max3A_24 = arith.constant 0.000000e+00 : f32
    %max3A_25 = vector.broadcast %max3A_24 : f32 to vector<400x20xf32>
    %max3A_26 = arith.maximumf %add3A_23, %max3A_25 : vector<400x20xf32>
    %get3A_27 = arith.constant 0 : index
    %get3A_28 = arith.constant 0 : index
    %get3A_29 = vector.load %arg4[%get3A_27, %get3A_28] : memref<20x16xf32, #tpu.memory_space<vmem>>, vector<20x16xf32>
    %dot_general3A = arith.constant dense<0.000000e+00> : vector<400x16xf32>
    %dot_general3A_30 = tpu.matmul %max3A_26, %get3A_29, %dot_general3A {dimension_numbers = #tpu.dot_dimension_numbers<[1], [0], [0], [1], [0, 0, 1, 1], [], []>, transpose_lhs_hint = false} : vector<400x20xf32>, vector<20x16xf32>, vector<400x16xf32> -> vector<400x16xf32>
    %swap3A = arith.constant 0 : index
    %swap3A_31 = arith.constant 0 : index
    %swap3A_32 = vector.load %arg6[%swap3A, %swap3A_31] : memref<400x16xf32, #tpu.memory_space<vmem>>, vector<400x16xf32>
    tpu.vector_store %arg6[%swap3A, %swap3A_31], %dot_general3A_30 {strides = array<i32>} : memref<400x16xf32, #tpu.memory_space<vmem>>, vector<400x16xf32>,
    %get3A_33 = arith.constant 0 : index
    %get3A_34 = arith.constant 0 : index
    %get3A_35 = vector.load %arg5[%get3A_33, %get3A_34] : memref<20x3xf32, #tpu.memory_space<vmem>>, vector<20x3xf32>
    %dot_general3A_36 = arith.constant dense<0.000000e+00> : vector<400x3xf32>
    %dot_general3A_37 = tpu.matmul %max3A_26, %get3A_35, %dot_general3A_36 {dimension_numbers = #tpu.dot_dimension_numbers<[1], [0], [0], [1], [0, 0, 1, 1], [], []>, transpose_lhs_hint = false} : vector<400x20xf32>, vector<20x3xf32>, vector<400x3xf32> -> vector<400x3xf32>
    %swap3A_38 = arith.constant 0 : index
    %swap3A_39 = arith.constant 0 : index
    %swap3A_40 = vector.load %arg7[%swap3A_38, %swap3A_39] : memref<400x3xf32, #tpu.memory_space<vmem>>, vector<400x3xf32>
    tpu.vector_store %arg7[%swap3A_38, %swap3A_39], %dot_general3A_37 {strides = array<i32>} : memref<400x3xf32, #tpu.memory_space<vmem>>, vector<400x3xf32>,
    %swap3A_41 = arith.constant 0 : index
    %swap3A_42 = arith.constant 0 : index
    %swap3A_43 = vector.load %arg8[%swap3A_41, %swap3A_42] : memref<400x1xf32, #tpu.memory_space<vmem>>, vector<400x1xf32>
    tpu.vector_store %arg8[%swap3A_41, %swap3A_42], %div3A_12 {strides = array<i32>} : memref<400x1xf32, #tpu.memory_space<vmem>>, vector<400x1xf32>,
    return
  }
  func.func @transform_0(%arg0: i32) -> (i32, i32, i32) {
    %c0_i32 = arith.constant 0 : i32
    %c0_i32_0 = arith.constant 0 : i32
    %c0_i32_1 = arith.constant 0 : i32
    return %c0_i32, %arg0, %c0_i32_0 : i32, i32, i32
  }
  func.func @transform_1(%arg0: i32) -> (i32, i32) {
    %c0_i32 = arith.constant 0 : i32
    %c0_i32_0 = arith.constant 0 : i32
    return %arg0, %c0_i32 : i32, i32
  }
  func.func @transform_2(%arg0: i32) -> (i32, i32) {
    %c0_i32 = arith.constant 0 : i32
    %c0_i32_0 = arith.constant 0 : i32
    %c0_i32_1 = arith.constant 0 : i32
    return %c0_i32, %c0_i32_0 : i32, i32
  }
  func.func @transform_3(%arg0: i32) -> (i32, i32) {
    %c0_i32 = arith.constant 0 : i32
    %c0_i32_0 = arith.constant 0 : i32
    %c0_i32_1 = arith.constant 0 : i32
    return %c0_i32, %c0_i32_0 : i32, i32
  }
  func.func @transform_4(%arg0: i32) -> (i32, i32) {
    %c0_i32 = arith.constant 0 : i32
    %c0_i32_0 = arith.constant 0 : i32
    %c0_i32_1 = arith.constant 0 : i32
    return %c0_i32, %c0_i32_0 : i32, i32
  }
  func.func @transform_5(%arg0: i32) -> (i32, i32) {
    %c0_i32 = arith.constant 0 : i32
    %c0_i32_0 = arith.constant 0 : i32
    return %arg0, %c0_i32 : i32, i32
  }
  func.func @transform_6(%arg0: i32) -> (i32, i32) {
    %c0_i32 = arith.constant 0 : i32
    %c0_i32_0 = arith.constant 0 : i32
    return %arg0, %c0_i32 : i32, i32
  }
  func.func @transform_7(%arg0: i32) -> (i32, i32) {
    %c0_i32 = arith.constant 0 : i32
    %c0_i32_0 = arith.constant 0 : i32
    return %arg0, %c0_i32 : i32, i32
  }
}

module attributes {stable_mosaic.version = 14 : i64} {
  func.func @_fin_body(%arg0: i32, %arg1: memref<2x400x16xf32, #tpu.memory_space<vmem>>, %arg2: memref<400x3xf32, #tpu.memory_space<vmem>>, %arg3: memref<400x1xf32, #tpu.memory_space<vmem>>, %arg4: memref<1x3xf32, #tpu.memory_space<vmem>>, %arg5: memref<400x3xf32, #tpu.memory_space<vmem>>) attributes {dimension_semantics = [#tpu.dimension_semantics<arbitrary>], iteration_bounds = array<i64: 25>, scalar_prefetch = 0 : i64, scratch_operands = 0 : i64, tpu.core_type = #tpu.core_type<tc>, window_params = [{transform_indices = @transform_0, window_bounds = array<i64: 2, 400, 16>}, {transform_indices = @transform_1, window_bounds = array<i64: 400, 3>}, {transform_indices = @transform_2, window_bounds = array<i64: 400, 1>}, {pipeline_mode = #tpu.pipeline_mode<synchronous>, transform_indices = @transform_3, window_bounds = array<i64: 1, 3>}, {transform_indices = @transform_4, window_bounds = array<i64: 400, 3>}]} {
    %get3A = arith.constant 0 : index
    %get3A_0 = arith.constant 0 : index
    %get3A_1 = arith.constant 0 : index
    %get3A_2 = vector.load %arg1[%get3A, %get3A_0, %get3A_1] : memref<2x400x16xf32, #tpu.memory_space<vmem>>, vector<1x400x16xf32>
    %get3A_3 = vector.shape_cast %get3A_2 : vector<1x400x16xf32> to vector<400x16xf32>
    %get3A_4 = arith.constant 1 : index
    %get3A_5 = arith.constant 0 : index
    %get3A_6 = arith.constant 0 : index
    %get3A_7 = vector.load %arg1[%get3A_4, %get3A_5, %get3A_6] : memref<2x400x16xf32, #tpu.memory_space<vmem>>, vector<1x400x16xf32>
    %get3A_8 = vector.shape_cast %get3A_7 : vector<1x400x16xf32> to vector<400x16xf32>
    %add3A = arith.addf %get3A_3, %get3A_8 : vector<400x16xf32>
    %slice3A = vector.extract_strided_slice %add3A {offsets = [0, 0], sizes = [400, 3], strides = [1, 1]} : vector<400x16xf32> to vector<400x3xf32>
    %get3A_9 = arith.constant 0 : index
    %get3A_10 = arith.constant 0 : index
    %get3A_11 = vector.load %arg3[%get3A_9, %get3A_10] : memref<400x1xf32, #tpu.memory_space<vmem>>, vector<400x1xf32>
    %mul3A = vector.broadcast %get3A_11 : vector<400x1xf32> to vector<400x3xf32>
    %mul3A_12 = arith.mulf %slice3A, %mul3A : vector<400x3xf32>
    %get3A_13 = arith.constant 0 : index
    %get3A_14 = arith.constant 0 : index
    %get3A_15 = vector.load %arg4[%get3A_13, %get3A_14] : memref<1x3xf32, #tpu.memory_space<vmem>>, vector<1x3xf32>
    %add3A_16 = vector.broadcast %get3A_15 : vector<1x3xf32> to vector<400x3xf32>
    %add3A_17 = arith.addf %mul3A_12, %add3A_16 : vector<400x3xf32>
    %get3A_18 = arith.constant 0 : index
    %get3A_19 = arith.constant 0 : index
    %get3A_20 = vector.load %arg2[%get3A_18, %get3A_19] : memref<400x3xf32, #tpu.memory_space<vmem>>, vector<400x3xf32>
    %add3A_21 = arith.addf %add3A_17, %get3A_20 : vector<400x3xf32>
    %swap3A = arith.constant 0 : index
    %swap3A_22 = arith.constant 0 : index
    %swap3A_23 = vector.load %arg5[%swap3A, %swap3A_22] : memref<400x3xf32, #tpu.memory_space<vmem>>, vector<400x3xf32>
    tpu.vector_store %arg5[%swap3A, %swap3A_22], %add3A_21 {strides = array<i32>} : memref<400x3xf32, #tpu.memory_space<vmem>>, vector<400x3xf32>,
    return
  }
  func.func @transform_0(%arg0: i32) -> (i32, i32, i32) {
    %c0_i32 = arith.constant 0 : i32
    %c0_i32_0 = arith.constant 0 : i32
    %c0_i32_1 = arith.constant 0 : i32
    return %c0_i32, %arg0, %c0_i32_0 : i32, i32, i32
  }
  func.func @transform_1(%arg0: i32) -> (i32, i32) {
    %c0_i32 = arith.constant 0 : i32
    %c0_i32_0 = arith.constant 0 : i32
    return %arg0, %c0_i32 : i32, i32
  }
  func.func @transform_2(%arg0: i32) -> (i32, i32) {
    %c0_i32 = arith.constant 0 : i32
    %c0_i32_0 = arith.constant 0 : i32
    return %arg0, %c0_i32 : i32, i32
  }
  func.func @transform_3(%arg0: i32) -> (i32, i32) {
    %c0_i32 = arith.constant 0 : i32
    %c0_i32_0 = arith.constant 0 : i32
    %c0_i32_1 = arith.constant 0 : i32
    return %c0_i32, %c0_i32_0 : i32, i32
  }
  func.func @transform_4(%arg0: i32) -> (i32, i32) {
    %c0_i32 = arith.constant 0 : i32
    %c0_i32_0 = arith.constant 0 : i32
    return %arg0, %c0_i32 : i32, i32
  }
}

</mosaic_0001>

<sc_bundles>
// kernel: kernel.10.cloned.1.call-start
scs
__scs_entry_jumppad:
0x0: {  	(pc) =	sbr.rel $0x88, $3  }
0x1: {  	(tag) =	ssettag $0x0;
	lr =	simm.s32 $0x1  }
0x2: {  	[smem:$0x3F99] =	sst lr;
	_ =	strace $0xD0000000  }
0x3: {  	_ = 	snop  }
0x4: {  	_ = 	snop  }
0x5: {  	_ = 	snop  }
0x6: {  	_ = 	snop  }
0x7: {  	_ = 	snop  }
__scs_overlays_trampoline_lowered:
0x8: {  	[smem:$0x3FA8] =	sst s0  }
0x9: {  	[smem:$0x3FA9] =	sst s1  }
0xa: {  	[smem:$0x3FAA] =	sst s2  }
0xb: {  	[smem:$0x3FAB] =	sst s3  }
0xc: {  	[smem:$0x3FAC] =	sst s4  }
0xd: {  	[smem:$0x3FAD] =	sst s5  }
0xe: {  	[smem:$0x3FAE] =	sst s6  }
0xf: {  	[smem:$0x3FAF] =	sst s7  }
0x10: {  	[smem:$0x3FB0] =	sst s8  }
0x11: {  	[smem:$0x3FB1] =	sst s9;
	s0 =	simm.s32 @!p0 $0x0  }
0x12: {  	s1 =	sld [smem:$0x3F97];
	s0 =	simm.s32 @p0 $0x1  }
0x13: {  	[smem:$0x3FB2] =	sst s0;
	s0 =	simm.s32 @!p1 $0x0  }
0x14: {  	s2 =	sld [smem:$0x3F96];
	s0 =	simm.s32 @p1 $0x1  }
0x15: {  	[smem:$0x3FB3] =	sst s0;
	s0 =	simm.s32 @!p2 $0x0  }
0x16: {  	s3 =	sld [smem:$0x3FDB];
	s0 =	simm.s32 @p2 $0x1  }
0x17: {  	s4 =	simm.s32 $0x1BF5;
	[smem:$0x3FB5] =	sst s0  }
0x18: {  	s0 =	sld [smem:$0x3F98];
	_ =	swait.ge [sflag:s4], $0x0  }
0x19: {  	s7 =	sld [smem:$0x3F99]  }
0x1a: {  	s8 =	sadd.s32 $0xFFFFE003, lr  }
0x1b: {  	s9 =	sadd.s32 $0xFFFFFEF7, lr;
	s5 =	simm.s32 $0xFFFFFFFF;
	p2 =	slt.u32 s8, $0xFFFFF086  }
0x1c: {  	p1 =	slt.u32 s9, $0xF7A;
	s5 =	simm.s32 @!p2 $0x0  }
0x1d: {  	s5 =	simm.s32 @p1 $0x1;
	p0 =	seq.s32 s7, s2  }
0x1e: {  	s7 =	smul.u32 @!p0 $0xF7A, s2;
	p2 =	seq.s32 @!p0 s5, $0x0  }
0x1f: {  	s9 =	smul.u32 $0xF7A, s1;
	s8 =	simm.s32 @!p0 $0x1BF5;
	p2 =	por !p2, p0  }
0x20: {  	[sflag:s8] =	ssyncset.s32 @!p0 $0xFFFFF086;
	s6 =	sadd.s32 @!p0 s3, s7;
	s7 =	simm.s32 @!p0 $0x108  }
0x21: {  	s3 =	sadd.s32 s3, s9;
	s6 =	sadd.s32 @!p0 $0x88, s6;
	s7 =	simm.s32 @p2 $0x1082  }
0x22: {  	[simem:s7], [sflag:s8] =	dma.local @!p0 [hbm:s6], $0xF7A  }
0x23: {  	s9 =	sor.u32 $0xD0000000, s2;
	s6 =	simm.s32 $0x108;
	_ =	swait.ge @!p0 [sflag:s8], $0x0  }
0x24: {  	s3 =	sadd.s32 $0x88, s3;
	s6 =	simm.s32 @!p1 $0x1082;
	[sflag:s4] =	ssyncset.s32 $0xFFFFF086  }
0x25: {  	[simem:s6], [sflag:s4] =	dma.local [hbm:s3], $0xF7A  }
0x26: {  	[smem:$0x3F99] =	sst s1;
	(tag) =	ssettag s2;
	_ =	strace s9  }
0x27: {  	s1 =	sld [smem:$0x3FA9]  }
0x28: {  	s2 =	sld [smem:$0x3FAA]  }
0x29: {  	s4 =	sld [smem:$0x3FAC]  }
0x2a: {  	p0 =	seq.s32 s5, $0x0;
	s5 =	sld [smem:$0x3FAD]  }
0x2b: {  	s6 =	sld [smem:$0x3FAE]  }
0x2c: {  	s7 =	sld [smem:$0x3FAF]  }
0x2d: {  	s3 =	simm.s32 $0x108;
	s8 =	sld [smem:$0x3FB0]  }
0x2e: {  	s3 =	simm.s32 @!p0 $0x1082;
	s9 =	sld [smem:$0x3FB1]  }
0x2f: {  	lr =	sadd.s32 s0, s3;
	s0 =	sld [smem:$0x3FA8]  }
0x30: {  	s3 =	sld [smem:$0x3FAB]  }
0x31: {  	[smem:$0x3FB4] =	sst s10  }
0x32: {  	s10 =	sld [smem:$0x3FB2];
	_ =	sdelay $0x3  }
0x33: {  	p0 =	seq.s32 s10, $0x1;
	s10 =	sld [smem:$0x3FB4];
	_ =	sdelay $0x3  }
0x34: {  	[smem:$0x3FB4] =	sst s10  }
0x35: {  	s10 =	sld [smem:$0x3FB3];
	_ =	sdelay $0x3  }
0x36: {  	p1 =	seq.s32 s10, $0x1;
	s10 =	sld [smem:$0x3FB4];
	_ =	sdelay $0x3  }
0x37: {  	[smem:$0x3FB4] =	sst s10  }
0x38: {  	s10 =	sld [smem:$0x3FB5]  }
0x39: {  	_ = 	snop;
	(pc) =	sbr.ind lr, $3  }
0x3a: {  	_ = 	snop  }
0x3b: {  	_ = 	snop  }
0x3c: {  	p2 =	seq.s32 s10, $0x1;
	s10 =	sld [smem:$0x3FB4]  }
0x3d: {  	_ =	shalt  }
0x3e: {  	_ =	shalt  }
0x3f: {  	_ =	shalt  }
0x40: {  	_ =	shalt  }
0x41: {  	_ =	shalt  }
0x42: {  	_ =	shalt  }
0x43: {  	_ =	shalt  }
0x44: {  	_ =	shalt  }
0x45: {  	_ =	shalt  }
0x46: {  	_ =	shalt  }
0x47: {  	_ =	shalt  }
0x48: {  	_ =	shalt  }
0x49: {  	_ =	shalt  }
0x4a: {  	_ =	shalt  }
0x4b: {  	_ =	shalt  }
0x4c: {  	_ =	shalt  }
0x4d: {  	_ =	shalt  }
0x4e: {  	_ =	shalt  }
0x4f: {  	_ =	shalt  }
0x50: {  	_ =	shalt  }
0x51: {  	_ =	shalt  }
0x52: {  	_ =	shalt  }
0x53: {  	_ =	shalt  }
0x54: {  	_ =	shalt  }
0x55: {  	_ =	shalt  }
0x56: {  	_ =	shalt  }
0x57: {  	_ =	shalt  }
0x58: {  	_ =	shalt  }
0x59: {  	_ =	shalt  }
0x5a: {  	_ =	shalt  }
0x5b: {  	_ =	shalt  }
0x5c: {  	_ =	shalt  }
0x5d: {  	_ =	shalt  }
0x5e: {  	_ =	shalt  }
0x5f: {  	_ =	shalt  }
0x60: {  	_ =	shalt  }
0x61: {  	_ =	shalt  }
0x62: {  	_ =	shalt  }
0x63: {  	_ =	shalt  }
0x64: {  	_ =	shalt  }
0x65: {  	_ =	shalt  }
0x66: {  	_ =	shalt  }
0x67: {  	_ =	shalt  }
0x68: {  	_ =	shalt  }
0x69: {  	_ =	shalt  }
0x6a: {  	_ =	shalt  }
0x6b: {  	_ =	shalt  }
0x6c: {  	_ =	shalt  }
0x6d: {  	_ =	shalt  }
0x6e: {  	_ =	shalt  }
0x6f: {  	_ =	shalt  }
0x70: {  	_ =	shalt  }
0x71: {  	_ =	shalt  }
0x72: {  	_ =	shalt  }
0x73: {  	_ =	shalt  }
0x74: {  	_ =	shalt  }
0x75: {  	_ =	shalt  }
0x76: {  	_ =	shalt  }
0x77: {  	_ =	shalt  }
0x78: {  	_ =	shalt  }
0x79: {  	_ =	shalt  }
0x7a: {  	_ =	shalt  }
0x7b: {  	_ =	shalt  }
0x7c: {  	_ =	shalt  }
0x7d: {  	_ =	shalt  }
0x7e: {  	_ =	shalt  }
0x7f: {  	_ =	shalt  }
0x80: {  	_ =	shalt  }
0x81: {  	_ =	shalt  }
0x82: {  	_ =	shalt  }
0x83: {  	_ =	shalt  }
0x84: {  	_ =	shalt  }
0x85: {  	_ =	shalt  }
0x86: {  	_ =	shalt  }
0x87: {  	_ =	shalt  }
.Lfunc_end0:
.L_simem_size_0:
called_computation.1_lowered:
.L_overlay_start_0:
0x88: {  	s2 =	sld [smem:$0x3FD9]  }
0x89: {  	s3 =	sld [smem:$0x3FFE];
	_ =	sdelay $0x1  }
0x8a: {  	s1 =	srdreg.scid  }
0x8b: {  	s0 =	sand.u32 $0x1, s1  }
0x8c: {  	s17 =	sshll.u32 s0, $0xA;
	s2 =	sadd.s32 s3, s2  }
0x8d: {  	s2 =	sadd.s32 s2, s17  }
0x8e: {  	[smem:$0x3FC0] =	sst s2  }
0x8f: {  	_ = 	snop  }
0x90: {  	s2 =	sld [smem:$0x3FD0];
	(tm) =	ssettm $0x1  }
0x91: {  	s18 =	sld [smem:$0x3FFB];
	_ =	sdelay $0x3  }
0x92: {  	_ =	strace s18  }
0x93: {  	s3 =	sld [smem:$0x3FFC];
	_ =	sdelay $0x3  }
0x94: {  	_ =	strace s3  }
0x95: {  	s3 =	sld [smem:$0x3FFD];
	_ =	sdelay $0x3  }
0x96: {  	_ =	strace s3  }
0x97: {  	_ =	strace $0x8FFFFFFF  }
0x98: {  	s19 =	sld [smem:$0x3FDB];
	_ =	sdelay $0x1  }
0x99: {  	s4 =	simm.s32 $_scs_section_size  }
0x9a: {  	s5 =	simm.s32 $_size__tile_overlayer_lowered;
	s6 =	simm.s32 $_tile_overlayer_lowered  }
0x9b: {  	s22 =	simm.s32 $0x1BFF;
	s21 =	sshll.u32 s6, $0x1;
	s3 =	sadd.s32 s4, s19  }
0x9c: {  	s7 =	simm.s32 $0x0;
	s20 =	sshll.u32 s5, $0x1;
	s5 =	sadd.s32 s21, s3  }
0x9d: {  	[timem:s7], [sflag:s22] =	dma.local [hbm:s5], s20  }
0x9e: {  	_ =	swait.ge [sflag:s22], s20  }
0x9f: {  	s4 =	ssub.s32 $0x0, s20;
	[sflag:s22] =	ssyncset.done $0x0  }
0xa0: {  	[sflag:s22] =	ssyncadd.s32 s4;
	_ =	sdelay $0x1  }
0xa1: {  	s23 =	simm.s32 $0x1B8B  }
0xa2: {  	_ =	swait.ge [sflag:s23], $0x1  }
0xa3: {  	[sflag:s23] =	ssyncset.done $0x0  }
0xa4: {  	s25 =	simm.s32 $0x1B8E;
	s24 =	sld [smem:$0x3FFE];
	[sflag:s23] =	ssyncadd.s32 $0xFFFFFFFF  }
0xa5: {  	s26 =	simm.s32 $execute0_lowered;
	[smem:$0x3FD2] =	sst s25  }
0xa6: {  	s5 =	sshll.u32 s26, $0x1;
	_ =	strace $0x80000049;
	[dreg:$0x1] =	wrdreg $0xFFFFFFFF  }
0xa7: {  	s28 =	simm.s32 $_size_execute0_lowered;
	s3 =	sadd.s32 s3, s5;
	[dreg:$0x0] =	wrdreg $0x0  }
0xa8: {  	s5 =	sshll.u32 s28, $0x1;
	[dreg:$0x2] =	wrdreg s3  }
0xa9: {  	[dreg:$0x3] =	wrdreg s5  }
0xaa: {  	[dreg:$0x4] =	wrdreg $0xC0  }
0xab: {  	_ =	task [dreg:s7], $0x5FFFF  }
0xac: {  	[dreg:$0x1] =	wrdreg $0xFFFFFFFF  }
0xad: {  	[dreg:$0x0] =	wrdreg $0x60  }
0xae: {  	[dreg:$0x2] =	wrdreg s24  }
0xaf: {  	[dreg:$0x3] =	wrdreg s2  }
0xb0: {  	[dreg:$0x4] =	wrdreg $0x57800  }
0xb1: {  	[dreg:$0x5] =	wrdreg $0x9  }
0xb2: {  	_ =	task.clear_ibuf [dreg:s7], $0x6FFFF;
	_ =	strace $0x90000049  }
0xb3: {  	s29 =	simm.s32 $0x9;
	_ =	strace $0x8000004B  }
0xb4: {  	_ =	swait.ge [sflag:s29], $0x1  }
0xb5: {  	[sflag:s29] =	ssyncadd.s32 $0xFFFFFFFF  }
0xb6: {  	_ =	strace $0x9000004B  }
0xb7: {  	_ =	sfence  }
0xb8: {  	s30 =	sld [smem:$0x0];
	_ =	sdelay $0x2  }
0xb9: {  	s31 =	sshll.u32 s1, $0xD;
	s1 =	sshrl.u32 s1, $0x2  }
0xba: {  	s3 =	sand.u32 $0x4000, s31;
	s1 =	sadd.s32 s1, s30  }
0xbb: {  	s0 =	sor.u32 s3, s0;
	s1 =	sshll.u32 s1, $0x11  }
0xbc: {  	s0 =	sor.u32 s1, s0  }
0xbd: {  	s0 =	sadd.s32 $0x8F2B, s0  }
0xbe: {  	[sflag:s0] =	ssyncadd.remote.s32 $0x1  }
0xbf: {  	_ =	sfence.sel $0xFFFF  }
0xc0: {  	[dreg:$0x0] =	wrdreg $0xFFFFFFFF;
	(pc) =	sbr.abs _section_cstart, $3  }
0xc1: {  	[dreg:$0x1] =	wrdreg $0xFFFFFFFF  }
0xc2: {  	_ =	task.clear_ibuf [dreg:s7], $0x2FFFF;
	_ =	strace $0x9FFFFFFF  }
0xc3: {  	(tm) =	ssettm $0x7FFFFFFF  }
tec
execute0_lowered:
.L_overlay_start_1:
0x0: {  	(tag) =	ssettag $0x1  }
0x1: {  	s6 =	rddreg [dreg:$0x0]  }
0x2: {  	s2 =	rddreg [dreg:$0x1]  }
0x3: {  	s3 =	rddreg [dreg:$0x2]  }
0x4: {  	s0 =	rddreg [dreg:$0x3];
	s4 =	srdreg.scid  }
0x5: {  	s1 =	stileid.u32;
	s13 =	simm.s32 $0x1400;
	s14 =	simm.s32 $0x80  }
0x6: {  	s15 =	simm.s32 $0x2800;
	s16 =	simm.s32 $0x1;
	s17 =	simm.s32 $0x0  }
0x7: {  	s5 =	sand.u32 $0x1, s4;
	s7 =	sshll.u32 s1, $0x1;
	s8 =	smul.u32 $0x2780, s1  }
0x8: {  	s4 =	simm.s32 $0x0;
	s7 =	sor.u32 s5, s7;
	s9 =	smul.u32 $0x27800, s5  }
0x9: {  	[smem:$0x7FF] =	sst s4;
	s10 =	ssub.s32 $0x2, s5;
	s5 =	sadd.s32 $0x1000, s6  }
0xa: {  	s7 =	smul.u32 $0x280, s7;
	s31 =	sshrl.u32 s10, $0x1;
	s9 =	sadd.s32 s8, s9  }
0xb: {  	_ =	strace $0x8000004A;
	s10 =	ssub.s32 s10, s31;
	s30 =	sshrl.u32 s9, $0x3  }
0xc: {  	s11 =	sadd.s32 s7, s6;
	s10 =	smax.u32 s10, $0x1;
	s12 =	sadd.s32 s30, s6  }
0xd: {  	s6 =	sadd.s32 s8, s3;
	s7 =	sadd.s32 $0xFE00, s11;
	s8 =	sadd.s32 $0xAE00, s11  }
0xe: {  	s11 =	simm.s32 $0x3000;
	s9 =	sadd.s32 $0x14E00, s12;
	s12 =	simm.s32 $0x2  }
.LBB2_1:
0xf: {  	[tilespmem:s11], [sflag:$0x2] =	stream.linear.gather [hbm4b:s2+s4], $0x2780, $0x38;
	[tilespmem:$0x7F00] =	vst v63  }
0x10: {  	_ =	swait.ge [sflag:s12], $0x2780  }
0x11: {  	[sflag:s12] =	ssyncset.done $0x0  }
0x12: {  	[sflag:s12] =	ssyncadd.s32 $0xFFFFD880  }
0x13: {  	[spmem:s6] =	stream.linear.scatter [tilespmem:s11], [sflag:$0x2], $0x2780, $0x38;
	[tilespmem:$0x7F00] =	vst v63  }
0x14: {  	_ =	swait.ge [sflag:s12], $0x2780  }
0x15: {  	[sflag:s12] =	ssyncset.done $0x0  }
0x16: {  	[sflag:s12] =	ssyncadd.s32 $0xFFFFD880  }
0x17: {  	[tilespmem:s4], [sflag:$0x2] =	stream.linear.gather [hbm4b:s7+s4], $0x1400, $0x38;
	[tilespmem:$0x7F00] =	vst v63  }
0x18: {  	_ =	swait.ge [sflag:s12], $0x1400  }
0x19: {  	[sflag:s12] =	ssyncset.done $0x0  }
0x1a: {  	[sflag:s12] =	ssyncadd.s32 $0xFFFFEC00  }
0x1b: {  	[tilespmem:s13], [sflag:$0x2] =	stream.linear.gather [hbm4b:s8+s4], $0x1400, $0x38;
	[tilespmem:$0x7F00] =	vst v63  }
0x1c: {  	_ =	swait.ge [sflag:s12], $0x1400  }
0x1d: {  	[sflag:s12] =	ssyncset.done $0x0  }
0x1e: {  	[sflag:s12] =	ssyncadd.s32 $0xFFFFEC00  }
0x1f: {  	s18 =	simm.s32 $0x0;
	[bflag:$0x0] =	sbarrier.arrive $0xFFFF  }
0x20: {  	[tilespmem:s15], [sflag:$0x1] =	stream.indirect.gather [hbm4b:s5+s14], $0x10, s18, s14, $0xb8;
	[tilespmem:$0x7F00] =	vst v63  }
0x21: {  	_ =	swait.ge [sflag:s16], $0x800  }
0x22: {  	[sflag:s16] =	ssyncset.done $0x0  }
0x23: {  	s31 =	simm.s32 $0x1400;
	[sflag:s16] =	ssyncadd.s32 $0xFFFFF800  }
0x24: {  	[spmem:s3] =	stream.indirect.scatter.add.f32 [tilespmem:s15], [sflag:$0x2], $0x10, s31, s14, $0xb8;
	[tilespmem:$0x7F00] =	vst v63  }
0x25: {  	_ =	swait.ge [sflag:s12], $0x800  }
0x26: {  	s19 =	simm.s32 $0x400;
	s18 =	simm.s32 $0x200;
	[sflag:s12] =	ssyncset.done $0x0  }
.LBB2_2:
0x27: {  	s20 =	sshra.s32 s18, $0x2  }
0x28: {  	[sflag:s12] =	ssyncadd.s32 $0xFFFFF800;
	s18 =	smov.u32 s19;
	s21 =	sadd.s32 $0x200, s19  }
0x29: {  	[tilespmem:s15], [sflag:$0x1] =	stream.indirect.gather [hbm4b:s5+s14], $0x10, s20, s14, $0xb8;
	[tilespmem:$0x7F00] =	vst v63  }
0x2a: {  	p0 =	sne.s32 s19, $0x4E00;
	_ =	swait.ge [sflag:s16], $0x800  }
.Ltmp0:
0x2b: {  	[sflag:s16] =	ssyncset.done $0x0;
	(pc) =	sbr.rel @p0 .LBB2_2-.Ltmp0, $4  }
0x2c: {  	s19 =	sadd.s32 $0x1400, s20;
	[sflag:s16] =	ssyncadd.s32 $0xFFFFF800  }
0x2d: {  	[spmem:s3] =	stream.indirect.scatter.add.f32 [tilespmem:s15], [sflag:$0x2], $0x10, s19, s14, $0xb8;
	[tilespmem:$0x7F00] =	vst v63  }
0x2e: {  	_ =	swait.ge [sflag:s12], $0x800  }
0x2f: {  	s19 =	smov.u32 s21;
	[sflag:s12] =	ssyncset.done $0x0  }
0x30: {  	s18 =	sshra.s32 s18, $0x2;
	[sflag:s12] =	ssyncadd.s32 $0xFFFFF800  }
0x31: {  	[tilespmem:s15], [sflag:$0x1] =	stream.indirect.gather [hbm4b:s5+s14], $0x10, s18, s14, $0xb8;
	[tilespmem:$0x7F00] =	vst v63  }
0x32: {  	_ =	swait.ge [sflag:s16], $0x800  }
0x33: {  	[sflag:s16] =	ssyncset.done $0x0  }
0x34: {  	s18 =	sadd.s32 $0x1400, s18;
	[sflag:s16] =	ssyncadd.s32 $0xFFFFF800  }
0x35: {  	[spmem:s3] =	stream.indirect.scatter.add.f32 [tilespmem:s15], [sflag:$0x2], $0x10, s18, s14, $0xb8;
	[tilespmem:$0x7F00] =	vst v63  }
0x36: {  	_ =	swait.ge [sflag:s12], $0x800  }
0x37: {  	[sflag:s12] =	ssyncset.done $0x0  }
0x38: {  	[sflag:s12] =	ssyncadd.s32 $0xFFFFF800  }
0x39: {  	[bflag:$0x0] =	sbarrier.arrive $0xFFFF  }
0x3a: {  	[tilespmem:s11], [sflag:$0x2] =	stream.linear.gather [spmem:s6], $0x2780, $0x38;
	[tilespmem:$0x7F00] =	vst v63  }
0x3b: {  	s17 =	sadd.s32 $0x1, s17;
	_ =	swait.ge [sflag:s12], $0x2780  }
0x3c: {  	p0 =	sne.s32 s17, s10;
	[sflag:s12] =	ssyncset.done $0x0  }
.Ltmp1:
0x3d: {  	[sflag:s12] =	ssyncadd.s32 $0xFFFFD880;
	(pc) =	sbr.rel @p0 .LBB2_1-.Ltmp1, $4  }
0x3e: {  	[hbm4b:s9+s4] =	stream.linear.scatter [tilespmem:s11], [sflag:$0x2], $0x2780, $0x38;
	[tilespmem:$0x7F00] =	vst v63  }
0x3f: {  	_ =	swait.ge [sflag:s12], $0x2780  }
0x40: {  	[sflag:s12] =	ssyncset.done $0x0  }
0x41: {  	[sflag:s12] =	ssyncadd.s32 $0xFFFFD880  }
0x42: {  	_ =	sfence.sel $0x180000  }
0x43: {  	[bflag:$0x0] =	sbarrier.arrive $0xFFFF  }
0x44: {  	p0 =	sne.s32 s1, $0x0;
	_ =	strace $0x9000004A  }
0x45: {  	s0 =	sadd.s32 @!p0 $0x100000, s0;
	[bflag:$0x2] =	sbarrier.arrive $0xFFFF  }
0x46: {  	[sflag:s0] =	ssyncadd.tile.s32 @!p0 $0x1;
	_ =	shalt  }
.Lfunc_end2:
_tile_overlayer_lowered:
.L_overlay_start_2:
0x47: {  	(tag) =	ssettag $0x2  }
0x48: {  	s0 =	rddreg [dreg:$0x0];
	s2 =	stileid.u32  }
0x49: {  	s1 =	rddreg [dreg:$0x1];
	p0 =	sne.s32 s2, $0x0  }
0x4a: {  	s3 =	rddreg [dreg:$0x2];
	[bflag:$0x3] =	sbarrier.arrive $0xFFFF;
	s2 =	simm.s32 @!p0 $0x1C02  }
0x4b: {  	[timem:s3], [sflag:s2] =	dma.local @!p0 [hbm:s0], s1  }
0x4c: {  	s0 =	simm.s32 @!p0 $0x2  }
0x4d: {  	_ =	swait.ge @!p0 [sflag:s0], s1  }
0x4e: {  	s1 =	ssub.s32 @!p0 $0x0, s1;
	[sflag:s0] =	ssyncset.done @!p0 $0x0  }
0x4f: {  	[sflag:s0] =	ssyncadd.s32 @!p0 s1  }
0x50: {  	[bflag:$0x3] =	sbarrier.arrive $0xFFFF  }
0x51: {  	_ =	shalt  }

// kernel: kernel.7.cloned.1.call-start
scs
__scs_entry_jumppad:
0x0: {  	(pc) =	sbr.rel $0x88, $3  }
0x1: {  	(tag) =	ssettag $0x0;
	lr =	simm.s32 $0x1  }
0x2: {  	[smem:$0x3F99] =	sst lr;
	_ =	strace $0xD0000000  }
0x3: {  	_ = 	snop  }
0x4: {  	_ = 	snop  }
0x5: {  	_ = 	snop  }
0x6: {  	_ = 	snop  }
0x7: {  	_ = 	snop  }
__scs_overlays_trampoline_lowered:
0x8: {  	[smem:$0x3FA8] =	sst s0  }
0x9: {  	[smem:$0x3FA9] =	sst s1  }
0xa: {  	[smem:$0x3FAA] =	sst s2  }
0xb: {  	[smem:$0x3FAB] =	sst s3  }
0xc: {  	[smem:$0x3FAC] =	sst s4  }
0xd: {  	[smem:$0x3FAD] =	sst s5  }
0xe: {  	[smem:$0x3FAE] =	sst s6  }
0xf: {  	[smem:$0x3FAF] =	sst s7  }
0x10: {  	[smem:$0x3FB0] =	sst s8  }
0x11: {  	[smem:$0x3FB1] =	sst s9;
	s0 =	simm.s32 @!p0 $0x0  }
0x12: {  	s1 =	sld [smem:$0x3F97];
	s0 =	simm.s32 @p0 $0x1  }
0x13: {  	[smem:$0x3FB2] =	sst s0;
	s0 =	simm.s32 @!p1 $0x0  }
0x14: {  	s2 =	sld [smem:$0x3F96];
	s0 =	simm.s32 @p1 $0x1  }
0x15: {  	[smem:$0x3FB3] =	sst s0;
	s0 =	simm.s32 @!p2 $0x0  }
0x16: {  	s3 =	sld [smem:$0x3FDB];
	s0 =	simm.s32 @p2 $0x1  }
0x17: {  	s4 =	simm.s32 $0x1BF5;
	[smem:$0x3FB5] =	sst s0  }
0x18: {  	s0 =	sld [smem:$0x3F98];
	_ =	swait.ge [sflag:s4], $0x0  }
0x19: {  	s7 =	sld [smem:$0x3F99]  }
0x1a: {  	s8 =	sadd.s32 $0xFFFFE003, lr  }
0x1b: {  	s9 =	sadd.s32 $0xFFFFFEF7, lr;
	s5 =	simm.s32 $0xFFFFFFFF;
	p2 =	slt.u32 s8, $0xFFFFF086  }
0x1c: {  	p1 =	slt.u32 s9, $0xF7A;
	s5 =	simm.s32 @!p2 $0x0  }
0x1d: {  	s5 =	simm.s32 @p1 $0x1;
	p0 =	seq.s32 s7, s2  }
0x1e: {  	s7 =	smul.u32 @!p0 $0xF7A, s2;
	p2 =	seq.s32 @!p0 s5, $0x0  }
0x1f: {  	s9 =	smul.u32 $0xF7A, s1;
	s8 =	simm.s32 @!p0 $0x1BF5;
	p2 =	por !p2, p0  }
0x20: {  	[sflag:s8] =	ssyncset.s32 @!p0 $0xFFFFF086;
	s6 =	sadd.s32 @!p0 s3, s7;
	s7 =	simm.s32 @!p0 $0x108  }
0x21: {  	s3 =	sadd.s32 s3, s9;
	s6 =	sadd.s32 @!p0 $0x88, s6;
	s7 =	simm.s32 @p2 $0x1082  }
0x22: {  	[simem:s7], [sflag:s8] =	dma.local @!p0 [hbm:s6], $0xF7A  }
0x23: {  	s9 =	sor.u32 $0xD0000000, s2;
	s6 =	simm.s32 $0x108;
	_ =	swait.ge @!p0 [sflag:s8], $0x0  }
0x24: {  	s3 =	sadd.s32 $0x88, s3;
	s6 =	simm.s32 @!p1 $0x1082;
	[sflag:s4] =	ssyncset.s32 $0xFFFFF086  }
0x25: {  	[simem:s6], [sflag:s4] =	dma.local [hbm:s3], $0xF7A  }
0x26: {  	[smem:$0x3F99] =	sst s1;
	(tag) =	ssettag s2;
	_ =	strace s9  }
0x27: {  	s1 =	sld [smem:$0x3FA9]  }
0x28: {  	s2 =	sld [smem:$0x3FAA]  }
0x29: {  	s4 =	sld [smem:$0x3FAC]  }
0x2a: {  	p0 =	seq.s32 s5, $0x0;
	s5 =	sld [smem:$0x3FAD]  }
0x2b: {  	s6 =	sld [smem:$0x3FAE]  }
0x2c: {  	s7 =	sld [smem:$0x3FAF]  }
0x2d: {  	s3 =	simm.s32 $0x108;
	s8 =	sld [smem:$0x3FB0]  }
0x2e: {  	s3 =	simm.s32 @!p0 $0x1082;
	s9 =	sld [smem:$0x3FB1]  }
0x2f: {  	lr =	sadd.s32 s0, s3;
	s0 =	sld [smem:$0x3FA8]  }
0x30: {  	s3 =	sld [smem:$0x3FAB]  }
0x31: {  	[smem:$0x3FB4] =	sst s10  }
0x32: {  	s10 =	sld [smem:$0x3FB2];
	_ =	sdelay $0x3  }
0x33: {  	p0 =	seq.s32 s10, $0x1;
	s10 =	sld [smem:$0x3FB4];
	_ =	sdelay $0x3  }
0x34: {  	[smem:$0x3FB4] =	sst s10  }
0x35: {  	s10 =	sld [smem:$0x3FB3];
	_ =	sdelay $0x3  }
0x36: {  	p1 =	seq.s32 s10, $0x1;
	s10 =	sld [smem:$0x3FB4];
	_ =	sdelay $0x3  }
0x37: {  	[smem:$0x3FB4] =	sst s10  }
0x38: {  	s10 =	sld [smem:$0x3FB5]  }
0x39: {  	_ = 	snop;
	(pc) =	sbr.ind lr, $3  }
0x3a: {  	_ = 	snop  }
0x3b: {  	_ = 	snop  }
0x3c: {  	p2 =	seq.s32 s10, $0x1;
	s10 =	sld [smem:$0x3FB4]  }
0x3d: {  	_ =	shalt  }
0x3e: {  	_ =	shalt  }
0x3f: {  	_ =	shalt  }
0x40: {  	_ =	shalt  }
0x41: {  	_ =	shalt  }
0x42: {  	_ =	shalt  }
0x43: {  	_ =	shalt  }
0x44: {  	_ =	shalt  }
0x45: {  	_ =	shalt  }
0x46: {  	_ =	shalt  }
0x47: {  	_ =	shalt  }
0x48: {  	_ =	shalt  }
0x49: {  	_ =	shalt  }
0x4a: {  	_ =	shalt  }
0x4b: {  	_ =	shalt  }
0x4c: {  	_ =	shalt  }
0x4d: {  	_ =	shalt  }
0x4e: {  	_ =	shalt  }
0x4f: {  	_ =	shalt  }
0x50: {  	_ =	shalt  }
0x51: {  	_ =	shalt  }
0x52: {  	_ =	shalt  }
0x53: {  	_ =	shalt  }
0x54: {  	_ =	shalt  }
0x55: {  	_ =	shalt  }
0x56: {  	_ =	shalt  }
0x57: {  	_ =	shalt  }
0x58: {  	_ =	shalt  }
0x59: {  	_ =	shalt  }
0x5a: {  	_ =	shalt  }
0x5b: {  	_ =	shalt  }
0x5c: {  	_ =	shalt  }
0x5d: {  	_ =	shalt  }
0x5e: {  	_ =	shalt  }
0x5f: {  	_ =	shalt  }
0x60: {  	_ =	shalt  }
0x61: {  	_ =	shalt  }
0x62: {  	_ =	shalt  }
0x63: {  	_ =	shalt  }
0x64: {  	_ =	shalt  }
0x65: {  	_ =	shalt  }
0x66: {  	_ =	shalt  }
0x67: {  	_ =	shalt  }
0x68: {  	_ =	shalt  }
0x69: {  	_ =	shalt  }
0x6a: {  	_ =	shalt  }
0x6b: {  	_ =	shalt  }
0x6c: {  	_ =	shalt  }
0x6d: {  	_ =	shalt  }
0x6e: {  	_ =	shalt  }
0x6f: {  	_ =	shalt  }
0x70: {  	_ =	shalt  }
0x71: {  	_ =	shalt  }
0x72: {  	_ =	shalt  }
0x73: {  	_ =	shalt  }
0x74: {  	_ =	shalt  }
0x75: {  	_ =	shalt  }
0x76: {  	_ =	shalt  }
0x77: {  	_ =	shalt  }
0x78: {  	_ =	shalt  }
0x79: {  	_ =	shalt  }
0x7a: {  	_ =	shalt  }
0x7b: {  	_ =	shalt  }
0x7c: {  	_ =	shalt  }
0x7d: {  	_ =	shalt  }
0x7e: {  	_ =	shalt  }
0x7f: {  	_ =	shalt  }
0x80: {  	_ =	shalt  }
0x81: {  	_ =	shalt  }
0x82: {  	_ =	shalt  }
0x83: {  	_ =	shalt  }
0x84: {  	_ =	shalt  }
0x85: {  	_ =	shalt  }
0x86: {  	_ =	shalt  }
0x87: {  	_ =	shalt  }
.Lfunc_end0:
.L_simem_size_0:
called_computation_lowered:
.L_overlay_start_0:
0x88: {  	s2 =	sld [smem:$0x3FD9]  }
0x89: {  	s3 =	sld [smem:$0x3FFE];
	_ =	sdelay $0x1  }
0x8a: {  	s1 =	srdreg.scid  }
0x8b: {  	s0 =	sand.u32 $0x1, s1  }
0x8c: {  	s17 =	sshll.u32 s0, $0xA;
	s2 =	sadd.s32 s3, s2  }
0x8d: {  	s2 =	sadd.s32 s2, s17  }
0x8e: {  	[smem:$0x3FC0] =	sst s2  }
0x8f: {  	_ = 	snop  }
0x90: {  	s2 =	sld [smem:$0x3FD0];
	(tm) =	ssettm $0x1  }
0x91: {  	s18 =	sld [smem:$0x3FFB];
	_ =	sdelay $0x3  }
0x92: {  	_ =	strace s18  }
0x93: {  	s3 =	sld [smem:$0x3FFC];
	_ =	sdelay $0x3  }
0x94: {  	_ =	strace s3  }
0x95: {  	s3 =	sld [smem:$0x3FFD];
	_ =	sdelay $0x3  }
0x96: {  	_ =	strace s3  }
0x97: {  	_ =	strace $0x8FFFFFFF  }
0x98: {  	s19 =	sld [smem:$0x3FDB];
	_ =	sdelay $0x1  }
0x99: {  	s4 =	simm.s32 $_scs_section_size  }
0x9a: {  	s5 =	simm.s32 $_size__tile_overlayer_lowered;
	s6 =	simm.s32 $_tile_overlayer_lowered  }
0x9b: {  	s22 =	simm.s32 $0x1BFF;
	s21 =	sshll.u32 s6, $0x1;
	s3 =	sadd.s32 s4, s19  }
0x9c: {  	s7 =	simm.s32 $0x0;
	s20 =	sshll.u32 s5, $0x1;
	s5 =	sadd.s32 s21, s3  }
0x9d: {  	[timem:s7], [sflag:s22] =	dma.local [hbm:s5], s20  }
0x9e: {  	_ =	swait.ge [sflag:s22], s20  }
0x9f: {  	s4 =	ssub.s32 $0x0, s20;
	[sflag:s22] =	ssyncset.done $0x0  }
0xa0: {  	[sflag:s22] =	ssyncadd.s32 s4;
	_ =	sdelay $0x1  }
0xa1: {  	s23 =	simm.s32 $0x1B8B  }
0xa2: {  	_ =	swait.ge [sflag:s23], $0x1  }
0xa3: {  	[sflag:s23] =	ssyncset.done $0x0  }
0xa4: {  	s25 =	simm.s32 $0x1B8E;
	s24 =	sld [smem:$0x3FFE];
	[sflag:s23] =	ssyncadd.s32 $0xFFFFFFFF  }
0xa5: {  	s26 =	simm.s32 $execute0_lowered;
	[smem:$0x3FD2] =	sst s25  }
0xa6: {  	s5 =	sshll.u32 s26, $0x1;
	_ =	strace $0x80000046;
	[dreg:$0x1] =	wrdreg $0xFFFFFFFF  }
0xa7: {  	s28 =	simm.s32 $_size_execute0_lowered;
	s3 =	sadd.s32 s3, s5;
	[dreg:$0x0] =	wrdreg $0x0  }
0xa8: {  	s5 =	sshll.u32 s28, $0x1;
	[dreg:$0x2] =	wrdreg s3  }
0xa9: {  	[dreg:$0x3] =	wrdreg s5  }
0xaa: {  	[dreg:$0x4] =	wrdreg $0xC0  }
0xab: {  	_ =	task [dreg:s7], $0x5FFFF  }
0xac: {  	[dreg:$0x1] =	wrdreg $0xFFFFFFFF  }
0xad: {  	[dreg:$0x0] =	wrdreg $0x60  }
0xae: {  	[dreg:$0x2] =	wrdreg s24  }
0xaf: {  	[dreg:$0x3] =	wrdreg s2  }
0xb0: {  	[dreg:$0x4] =	wrdreg $0x87000  }
0xb1: {  	[dreg:$0x5] =	wrdreg $0x9  }
0xb2: {  	_ =	task.clear_ibuf [dreg:s7], $0x6FFFF;
	_ =	strace $0x90000046  }
0xb3: {  	s29 =	simm.s32 $0x9;
	_ =	strace $0x80000048  }
0xb4: {  	_ =	swait.ge [sflag:s29], $0x1  }
0xb5: {  	[sflag:s29] =	ssyncadd.s32 $0xFFFFFFFF  }
0xb6: {  	_ =	strace $0x90000048  }
0xb7: {  	_ =	sfence  }
0xb8: {  	s30 =	sld [smem:$0x0];
	_ =	sdelay $0x2  }
0xb9: {  	s31 =	sshll.u32 s1, $0xD;
	s1 =	sshrl.u32 s1, $0x2  }
0xba: {  	s3 =	sand.u32 $0x4000, s31;
	s1 =	sadd.s32 s1, s30  }
0xbb: {  	s0 =	sor.u32 s3, s0;
	s1 =	sshll.u32 s1, $0x11  }
0xbc: {  	s0 =	sor.u32 s1, s0  }
0xbd: {  	s0 =	sadd.s32 $0x8F2B, s0  }
0xbe: {  	[sflag:s0] =	ssyncadd.remote.s32 $0x1  }
0xbf: {  	_ =	sfence.sel $0xFFFF  }
0xc0: {  	[dreg:$0x0] =	wrdreg $0xFFFFFFFF;
	(pc) =	sbr.abs _section_cstart, $3  }
0xc1: {  	[dreg:$0x1] =	wrdreg $0xFFFFFFFF  }
0xc2: {  	_ =	task.clear_ibuf [dreg:s7], $0x2FFFF;
	_ =	strace $0x9FFFFFFF  }
0xc3: {  	(tm) =	ssettm $0x7FFFFFFF  }
tec
execute0_lowered:
.L_overlay_start_1:
0x0: {  	(tag) =	ssettag $0x1  }
0x1: {  	s6 =	rddreg [dreg:$0x0]  }
0x2: {  	s2 =	rddreg [dreg:$0x1]  }
0x3: {  	s3 =	rddreg [dreg:$0x2]  }
0x4: {  	s0 =	rddreg [dreg:$0x3];
	s4 =	srdreg.scid  }
0x5: {  	s1 =	stileid.u32;
	s13 =	simm.s32 $0x1400;
	s14 =	simm.s32 $0x80  }
0x6: {  	s15 =	simm.s32 $0x2800;
	s16 =	simm.s32 $0x1;
	s17 =	simm.s32 $0x0  }
0x7: {  	s5 =	sand.u32 $0x1, s4;
	s7 =	sshll.u32 s1, $0x1;
	s8 =	smul.u32 $0x4F00, s1  }
0x8: {  	s4 =	simm.s32 $0x0;
	s7 =	sor.u32 s5, s7;
	s9 =	smul.u32 $0x4F000, s5  }
0x9: {  	[smem:$0x7FF] =	sst s4;
	s10 =	ssub.s32 $0x2, s5;
	s5 =	sadd.s32 $0x1000, s6  }
0xa: {  	s7 =	smul.u32 $0x280, s7;
	s31 =	sshrl.u32 s10, $0x1;
	s9 =	sadd.s32 s8, s9  }
0xb: {  	_ =	strace $0x80000047;
	s10 =	ssub.s32 s10, s31;
	s30 =	sshrl.u32 s9, $0x3  }
0xc: {  	s11 =	sadd.s32 s7, s6;
	s10 =	smax.u32 s10, $0x1;
	s12 =	sadd.s32 s30, s6  }
0xd: {  	s6 =	sadd.s32 s8, s3;
	s7 =	sadd.s32 $0xFE00, s11;
	s8 =	sadd.s32 $0xAE00, s11  }
0xe: {  	s11 =	simm.s32 $0x3800;
	s9 =	sadd.s32 $0x14E00, s12;
	s12 =	simm.s32 $0x2  }
.LBB2_1:
0xf: {  	[tilespmem:s11], [sflag:$0x2] =	stream.linear.gather [hbm4b:s2+s4], $0x4F00, $0x38;
	[tilespmem:$0xD600] =	vst v63  }
0x10: {  	_ =	swait.ge [sflag:s12], $0x4F00  }
0x11: {  	[sflag:s12] =	ssyncset.done $0x0  }
0x12: {  	[sflag:s12] =	ssyncadd.s32 $0xFFFFB100  }
0x13: {  	[spmem:s6] =	stream.linear.scatter [tilespmem:s11], [sflag:$0x2], $0x4F00, $0x38;
	[tilespmem:$0xD600] =	vst v63  }
0x14: {  	_ =	swait.ge [sflag:s12], $0x4F00  }
0x15: {  	[sflag:s12] =	ssyncset.done $0x0  }
0x16: {  	[sflag:s12] =	ssyncadd.s32 $0xFFFFB100  }
0x17: {  	[tilespmem:s4], [sflag:$0x2] =	stream.linear.gather [hbm4b:s7+s4], $0x1400, $0x38;
	[tilespmem:$0xD600] =	vst v63  }
0x18: {  	_ =	swait.ge [sflag:s12], $0x1400  }
0x19: {  	[sflag:s12] =	ssyncset.done $0x0  }
0x1a: {  	[sflag:s12] =	ssyncadd.s32 $0xFFFFEC00  }
0x1b: {  	[tilespmem:s13], [sflag:$0x2] =	stream.linear.gather [hbm4b:s8+s4], $0x1400, $0x38;
	[tilespmem:$0xD600] =	vst v63  }
0x1c: {  	_ =	swait.ge [sflag:s12], $0x1400  }
0x1d: {  	[sflag:s12] =	ssyncset.done $0x0  }
0x1e: {  	[sflag:s12] =	ssyncadd.s32 $0xFFFFEC00  }
0x1f: {  	s18 =	simm.s32 $0x0;
	[bflag:$0x0] =	sbarrier.arrive $0xFFFF  }
0x20: {  	[tilespmem:s15], [sflag:$0x1] =	stream.indirect.gather [hbm4b:s5+s14], $0x20, s18, s14, $0xb8;
	[tilespmem:$0xD600] =	vst v63  }
0x21: {  	_ =	swait.ge [sflag:s16], $0x1000  }
0x22: {  	[sflag:s16] =	ssyncset.done $0x0  }
0x23: {  	s31 =	simm.s32 $0x1400;
	[sflag:s16] =	ssyncadd.s32 $0xFFFFF000  }
0x24: {  	[spmem:s3] =	stream.indirect.scatter.add.f32 [tilespmem:s15], [sflag:$0x2], $0x20, s31, s14, $0xb8;
	[tilespmem:$0xD600] =	vst v63  }
0x25: {  	_ =	swait.ge [sflag:s12], $0x1000  }
0x26: {  	s19 =	simm.s32 $0x400;
	s18 =	simm.s32 $0x200;
	[sflag:s12] =	ssyncset.done $0x0  }
.LBB2_2:
0x27: {  	s20 =	sshra.s32 s18, $0x2  }
0x28: {  	[sflag:s12] =	ssyncadd.s32 $0xFFFFF000;
	s18 =	smov.u32 s19;
	s21 =	sadd.s32 $0x200, s19  }
0x29: {  	[tilespmem:s15], [sflag:$0x1] =	stream.indirect.gather [hbm4b:s5+s14], $0x20, s20, s14, $0xb8;
	[tilespmem:$0xD600] =	vst v63  }
0x2a: {  	p0 =	sne.s32 s19, $0x4E00;
	_ =	swait.ge [sflag:s16], $0x1000  }
.Ltmp0:
0x2b: {  	[sflag:s16] =	ssyncset.done $0x0;
	(pc) =	sbr.rel @p0 .LBB2_2-.Ltmp0, $4  }
0x2c: {  	s19 =	sadd.s32 $0x1400, s20;
	[sflag:s16] =	ssyncadd.s32 $0xFFFFF000  }
0x2d: {  	[spmem:s3] =	stream.indirect.scatter.add.f32 [tilespmem:s15], [sflag:$0x2], $0x20, s19, s14, $0xb8;
	[tilespmem:$0xD600] =	vst v63  }
0x2e: {  	_ =	swait.ge [sflag:s12], $0x1000  }
0x2f: {  	s19 =	smov.u32 s21;
	[sflag:s12] =	ssyncset.done $0x0  }
0x30: {  	s18 =	sshra.s32 s18, $0x2;
	[sflag:s12] =	ssyncadd.s32 $0xFFFFF000  }
0x31: {  	[tilespmem:s15], [sflag:$0x1] =	stream.indirect.gather [hbm4b:s5+s14], $0x20, s18, s14, $0xb8;
	[tilespmem:$0xD600] =	vst v63  }
0x32: {  	_ =	swait.ge [sflag:s16], $0x1000  }
0x33: {  	[sflag:s16] =	ssyncset.done $0x0  }
0x34: {  	s18 =	sadd.s32 $0x1400, s18;
	[sflag:s16] =	ssyncadd.s32 $0xFFFFF000  }
0x35: {  	[spmem:s3] =	stream.indirect.scatter.add.f32 [tilespmem:s15], [sflag:$0x2], $0x20, s18, s14, $0xb8;
	[tilespmem:$0xD600] =	vst v63  }
0x36: {  	_ =	swait.ge [sflag:s12], $0x1000  }
0x37: {  	[sflag:s12] =	ssyncset.done $0x0  }
0x38: {  	[sflag:s12] =	ssyncadd.s32 $0xFFFFF000  }
0x39: {  	[bflag:$0x0] =	sbarrier.arrive $0xFFFF  }
0x3a: {  	[tilespmem:s11], [sflag:$0x2] =	stream.linear.gather [spmem:s6], $0x4F00, $0x38;
	[tilespmem:$0xD600] =	vst v63  }
0x3b: {  	s17 =	sadd.s32 $0x1, s17;
	_ =	swait.ge [sflag:s12], $0x4F00  }
0x3c: {  	p0 =	sne.s32 s17, s10;
	[sflag:s12] =	ssyncset.done $0x0  }
.Ltmp1:
0x3d: {  	[sflag:s12] =	ssyncadd.s32 $0xFFFFB100;
	(pc) =	sbr.rel @p0 .LBB2_1-.Ltmp1, $4  }
0x3e: {  	[hbm4b:s9+s4] =	stream.linear.scatter [tilespmem:s11], [sflag:$0x2], $0x4F00, $0x38;
	[tilespmem:$0xD600] =	vst v63  }
0x3f: {  	_ =	swait.ge [sflag:s12], $0x4F00  }
0x40: {  	[sflag:s12] =	ssyncset.done $0x0  }
0x41: {  	[sflag:s12] =	ssyncadd.s32 $0xFFFFB100  }
0x42: {  	_ =	sfence.sel $0x180000  }
0x43: {  	[bflag:$0x0] =	sbarrier.arrive $0xFFFF  }
0x44: {  	p0 =	sne.s32 s1, $0x0;
	_ =	strace $0x90000047  }
0x45: {  	s0 =	sadd.s32 @!p0 $0x100000, s0;
	[bflag:$0x2] =	sbarrier.arrive $0xFFFF  }
0x46: {  	[sflag:s0] =	ssyncadd.tile.s32 @!p0 $0x1;
	_ =	shalt  }
.Lfunc_end2:
_tile_overlayer_lowered:
.L_overlay_start_2:
0x47: {  	(tag) =	ssettag $0x2  }
0x48: {  	s0 =	rddreg [dreg:$0x0];
	s2 =	stileid.u32  }
0x49: {  	s1 =	rddreg [dreg:$0x1];
	p0 =	sne.s32 s2, $0x0  }
0x4a: {  	s3 =	rddreg [dreg:$0x2];
	[bflag:$0x3] =	sbarrier.arrive $0xFFFF;
	s2 =	simm.s32 @!p0 $0x1C02  }
0x4b: {  	[timem:s3], [sflag:s2] =	dma.local @!p0 [hbm:s0], s1  }
0x4c: {  	s0 =	simm.s32 @!p0 $0x2  }
0x4d: {  	_ =	swait.ge @!p0 [sflag:s0], s1  }
0x4e: {  	s1 =	ssub.s32 @!p0 $0x0, s1;
	[sflag:s0] =	ssyncset.done @!p0 $0x0  }
0x4f: {  	[sflag:s0] =	ssyncadd.s32 @!p0 s1  }
0x50: {  	[bflag:$0x3] =	sbarrier.arrive $0xFFFF  }
0x51: {  	_ =	shalt  }

</sc_bundles>
